<compile_context>
chip_gen: v7x
topology: tpu7x:2x2x1
jax: 0.10.2.dev20260603
libtpu: 0.0.44.dev20260713+nightly
codegen_flags: <defaults>
</compile_context>

<pallas_src>
import functools

import jax
import jax.numpy as jnp
from jax.experimental import pallas as pl
from jax.experimental.pallas import tpu as pltpu
from jax.experimental.pallas import tpu_sc as plsc

_N = 5000
_B = 256
_NB = 20
_NPAD = _NB * _B
_W = _NPAD // 32
_WB = _B // 32
_THR = 0.5


def _pack_body(x1r, y1r, x2r, y2r, out_ref):
    rb = pl.program_id(0)
    iop = jax.lax.broadcasted_iota(jnp.int32, (_B, _B), 0)
    ioq = jax.lax.broadcasted_iota(jnp.int32, (_B, _B), 1)

    ioc = jax.lax.broadcasted_iota(jnp.int32, (_B, _WB), 0)
    iow = jax.lax.broadcasted_iota(jnp.int32, (_B, _WB), 1)
    bit = ioc & 31
    inword = (ioc >> 5) == iow
    pw = (1 << (bit & 15))
    plo = jnp.where(inword & (bit < 16), pw, 0).astype(jnp.float32)
    phi = jnp.where(inword & (bit >= 16), pw, 0).astype(jnp.float32)

    def to_col(v):
        return jax.lax.transpose(jnp.broadcast_to(v, (_B, _B)), (1, 0))

    rx1 = x1r[pl.ds(rb, 1), :]
    ry1 = y1r[pl.ds(rb, 1), :]
    rx2 = x2r[pl.ds(rb, 1), :]
    ry2 = y2r[pl.ds(rb, 1), :]
    rar = (rx2 - rx1) * (ry2 - ry1)
    cx1 = to_col(rx1)
    cy1 = to_col(ry1)
    cx2 = to_col(rx2)
    cy2 = to_col(ry2)
    car = to_col(rar)

    out_ref[...] = jnp.zeros((_B, _W), jnp.int32)

    for cb in range(_NB):
        @pl.when(rb <= cb)
        def _():
            tx1 = x1r[pl.ds(cb, 1), :]
            ty1 = y1r[pl.ds(cb, 1), :]
            tx2 = x2r[pl.ds(cb, 1), :]
            ty2 = y2r[pl.ds(cb, 1), :]
            tar = (tx2 - tx1) * (ty2 - ty1)
            ix1 = jnp.maximum(cx1, tx1)
            iy1 = jnp.maximum(cy1, ty1)
            ix2 = jnp.minimum(cx2, tx2)
            iy2 = jnp.minimum(cy2, ty2)
            iw = jnp.maximum(ix2 - ix1, 0.0)
            ih = jnp.maximum(iy2 - iy1, 0.0)
            inter = iw * ih
            iou = inter / (car + tar - inter + 1e-9)
            strict = (iop + rb * _B) < (ioq + cb * _B)
            sf = jnp.where((iou > _THR) & strict, 1.0, 0.0)
            lo = jax.lax.dot(sf, plo, preferred_element_type=jnp.float32)
            hi = jax.lax.dot(sf, phi, preferred_element_type=jnp.float32)
            words = (hi.astype(jnp.int32) << 16) | lo.astype(jnp.int32)
            out_ref[:, cb * _WB:(cb + 1) * _WB] = words

    del iop, ioq


def _pack_rows(x1, y1, x2, y2):
    return pl.pallas_call(
        _pack_body,
        grid=(_NB,),
        in_specs=[pl.BlockSpec((_NB, _B), lambda rb: (0, 0))] * 4,
        out_specs=pl.BlockSpec((_B, _W), lambda rb: (rb, 0)),
        out_shape=jax.ShapeDtypeStruct((_NPAD, _W), jnp.int32),
    )(x1, y1, x2, y2)


_CH = 128
_NCH = _NPAD // _CH


def _make_scan_sc():
    return functools.partial(
        pl.kernel,
        mesh=plsc.VectorSubcoreMesh(core_axis_name="c", subcore_axis_name="s"),
        out_type=jax.ShapeDtypeStruct((_W,), jnp.int32),
        scratch_types=[
            pltpu.VMEM((_W + 16,), jnp.int32),
            pltpu.VMEM((_CH, _W), jnp.int32),
            pltpu.VMEM((_CH, _W), jnp.int32),
            pltpu.SemaphoreType.DMA,
            pltpu.SemaphoreType.DMA,
        ],
    )(_scan_sc_body)


def _scan_sc_body(rows_hbm, out_hbm, rmem, buf0, buf1, sem0, sem1):
    cid = jax.lax.axis_index("c")
    sid = jax.lax.axis_index("s")

    @pl.when((cid == 0) & (sid == 0))
    def _():
        zero = jnp.zeros((16,), jnp.int32)
        for k in range(_W // 16 + 1):
            rmem[pl.ds(16 * k, 16)] = zero

        pltpu.sync_copy(rows_hbm.at[pl.ds(0, _CH)], buf0)

        def process(buf, base):
            lanes = jax.lax.iota(jnp.int32, 16)

            def row_step(r, _):
                i = base + r
                w = i >> 5
                b = i & 31
                v = rmem[pl.ds(w, 16)]
                bits = (v >> b) & 1
                sup = bits[0]

                @pl.when(sup == 0)
                def _():
                    for k in range(_W // 16):
                        sl = pl.ds(16 * k, 16)
                        rmem[sl] = rmem[sl] | buf[r, sl]

                return 0

            jax.lax.fori_loop(0, _CH, row_step, 0)

        def pair(c2, _):
            c = 2 * c2
            nb1 = ((c + 1) % _NCH) * _CH
            cp1 = pltpu.async_copy(rows_hbm.at[pl.ds(nb1, _CH)], buf1, sem1)
            process(buf0, c * _CH)
            cp1.wait()
            nb2 = ((c + 2) % _NCH) * _CH
            cp2 = pltpu.async_copy(rows_hbm.at[pl.ds(nb2, _CH)], buf0, sem0)
            process(buf1, (c + 1) * _CH)
            cp2.wait()
            return 0

        jax.lax.fori_loop(0, _NCH // 2, pair, 0)
        pltpu.sync_copy(rmem.at[pl.ds(0, _W)], out_hbm)


def kernel(boxes, scores):
    iota = jax.lax.iota(jnp.int32, _N)
    _, order, bx1, by1, bx2, by2, s = jax.lax.sort(
        (-scores, iota, boxes[:, 0], boxes[:, 1], boxes[:, 2], boxes[:, 3],
         scores), num_keys=1, is_stable=True)
    pad = _NPAD - _N
    x1 = jnp.concatenate([bx1, jnp.full((pad,), -1e6, jnp.float32)])
    y1 = jnp.concatenate([by1, jnp.full((pad,), -1e6, jnp.float32)])
    x2 = jnp.concatenate([bx2, jnp.full((pad,), -999999.0, jnp.float32)])
    y2 = jnp.concatenate([by2, jnp.full((pad,), -999999.0, jnp.float32)])

    rows = _pack_rows(x1.reshape(_NB, _B), y1.reshape(_NB, _B),
                      x2.reshape(_NB, _B), y2.reshape(_NB, _B))
    rwords = _make_scan_sc()(rows)

    idx = jax.lax.iota(jnp.int32, _N)
    bits = (rwords[idx >> 5] >> (idx & 31)) & 1
    keep = bits == 0
    kept_scores = jnp.where(keep, s, 0.0)
    return kept_scores, keep, order

# --- scband reference (transcript-rebuilt; emitter-appended) ---
"""Pipeline reference for scband-inst-head-25761213841798 (READ-ONLY COPY).

The authoritative reference and input builder live on the scoring server;
editing this copy changes nothing except your own understanding.
"""

import jax, jax.numpy as jnp
import numpy as np

N = 5000
IOU_THR = 0.5


def setup_inputs(seed: int = 0) -> dict:
    key = jax.random.key(seed)
    k1, k2, k3 = jax.random.split(key, 3)
    xy = jax.random.uniform(k1, (N, 2), dtype=jnp.float32) * 100.0
    wh = jax.random.uniform(k2, (N, 2), dtype=jnp.float32) * 10.0 + 1.0
    boxes = jnp.concatenate([xy, xy + wh], axis=1)
    scores = jax.random.uniform(k3, (N,), dtype=jnp.float32)
    return {"boxes": boxes, "scores": scores}


def _iou_matrix(b):
    x1, y1, x2, y2 = b[:, 0], b[:, 1], b[:, 2], b[:, 3]
    area = (x2 - x1) * (y2 - y1)
    ix1 = jnp.maximum(x1[:, None], x1[None, :])
    iy1 = jnp.maximum(y1[:, None], y1[None, :])
    ix2 = jnp.minimum(x2[:, None], x2[None, :])
    iy2 = jnp.minimum(y2[:, None], y2[None, :])
    iw = jnp.clip(ix2 - ix1, 0.0, None)
    ih = jnp.clip(iy2 - iy1, 0.0, None)
    inter = iw * ih
    return inter / (area[:, None] + area[None, :] - inter + 1e-9)


def reference(boxes, scores):
    # Greedy class-agnostic NMS over instance proposals (core suppression
    # step of the InstHead proposal post-processing / get_instances path).
    order = jnp.argsort(-scores)
    b = jnp.take(boxes, order, axis=0)
    s = jnp.take(scores, order, axis=0)
    iou = _iou_matrix(b)
    idx = jnp.arange(N)

    def body(i, keep):
        # max IoU against any already-kept, higher-scored box
        sup = jnp.max(jnp.where((idx < i) & keep, iou[:, i], 0.0))
        return keep.at[i].set(sup <= IOU_THR)

    keep = jax.lax.fori_loop(0, N, body, jnp.ones((N,), dtype=bool))
    kept_scores = jnp.where(keep, s, 0.0)
    return kept_scores, keep, order

if __name__ == "__main__":
    import jax
    _d = setup_inputs()
    print(jax.jit(kernel)(*tuple(_d.values())))

</pallas_src>

<mosaic_0001>
#map = affine_map<(d0, d1) -> (0, 0)>
#map1 = affine_map<(d0, d1) -> (0)>
module attributes {stable_mosaic.version = 14 : i64} {
  func.func @_scan_sc_body(%arg0: i32, %arg1: i32, %arg2: memref<5120x160xi32, #tpu.memory_space<hbm>>, %arg3: memref<160xi32, #tpu.memory_space<hbm>>, %arg4: memref<176xi32, #tpu.memory_space<vmem>>, %arg5: memref<128x160xi32, #tpu.memory_space<vmem>>, %arg6: memref<128x160xi32, #tpu.memory_space<vmem>>, %arg7: memref<!tpu.dma_semaphore, #tpu.memory_space<semaphore_mem>>, %arg8: memref<!tpu.dma_semaphore, #tpu.memory_space<semaphore_mem>>) attributes {dimension_semantics = [#tpu.dimension_semantics<core_parallel>, #tpu.dimension_semantics<subcore_parallel>], iteration_bounds = array<i64: 2, 16>, scalar_prefetch = 0 : i64, scratch_operands = 5 : i64, tpu.core_type = #tpu.core_type<sc_vector_subcore>, window_params = [{transform_indices = #map}, {transform_indices = #map1}]} {
    %eq3A = arith.constant 0 : i32
    %eq3A_0 = arith.cmpi eq, %arg0, %eq3A : i32
    %eq3A_1 = arith.constant 0 : i32
    %eq3A_2 = arith.cmpi eq, %arg1, %eq3A_1 : i32
    %and3A = arith.andi %eq3A_0, %eq3A_2 : i1
    %convert_element_type3A = arith.extui %and3A : i1 to i32
    %cond3A = arith.constant 0 : i32
    %cond3A_3 = arith.cmpi ne, %convert_element_type3A, %cond3A : i32
    scf.if %cond3A_3 {
      %broadcast_in_dim3A = arith.constant 0 : i32
      %broadcast_in_dim3A_4 = vector.broadcast %broadcast_in_dim3A : i32 to vector<16xi32>
      %swap3A = arith.constant 0 : index
      %swap3A_5 = tpu.vector_load %arg4[%swap3A] {strides = array<i32>} : memref<176xi32, #tpu.memory_space<vmem>>, vector<16xi32>,
      %swap3A_6 = vector.shape_cast %swap3A_5 : vector<16xi32> to vector<16xi32>
      %swap3A_7 = vector.shape_cast %broadcast_in_dim3A_4 : vector<16xi32> to vector<16xi32>
      tpu.vector_store %arg4[%swap3A], %swap3A_7 {strides = array<i32>} : memref<176xi32, #tpu.memory_space<vmem>>, vector<16xi32>,
      %swap3A_8 = arith.constant 16 : index
      %swap3A_9 = tpu.vector_load %arg4[%swap3A_8] {strides = array<i32>} : memref<176xi32, #tpu.memory_space<vmem>>, vector<16xi32>,
      %swap3A_10 = vector.shape_cast %swap3A_9 : vector<16xi32> to vector<16xi32>
      %swap3A_11 = vector.shape_cast %broadcast_in_dim3A_4 : vector<16xi32> to vector<16xi32>
      tpu.vector_store %arg4[%swap3A_8], %swap3A_11 {strides = array<i32>} : memref<176xi32, #tpu.memory_space<vmem>>, vector<16xi32>,
      %swap3A_12 = arith.constant 32 : index
      %swap3A_13 = tpu.vector_load %arg4[%swap3A_12] {strides = array<i32>} : memref<176xi32, #tpu.memory_space<vmem>>, vector<16xi32>,
      %swap3A_14 = vector.shape_cast %swap3A_13 : vector<16xi32> to vector<16xi32>
      %swap3A_15 = vector.shape_cast %broadcast_in_dim3A_4 : vector<16xi32> to vector<16xi32>
      tpu.vector_store %arg4[%swap3A_12], %swap3A_15 {strides = array<i32>} : memref<176xi32, #tpu.memory_space<vmem>>, vector<16xi32>,
      %swap3A_16 = arith.constant 48 : index
      %swap3A_17 = tpu.vector_load %arg4[%swap3A_16] {strides = array<i32>} : memref<176xi32, #tpu.memory_space<vmem>>, vector<16xi32>,
      %swap3A_18 = vector.shape_cast %swap3A_17 : vector<16xi32> to vector<16xi32>
      %swap3A_19 = vector.shape_cast %broadcast_in_dim3A_4 : vector<16xi32> to vector<16xi32>
      tpu.vector_store %arg4[%swap3A_16], %swap3A_19 {strides = array<i32>} : memref<176xi32, #tpu.memory_space<vmem>>, vector<16xi32>,
      %swap3A_20 = arith.constant 64 : index
      %swap3A_21 = tpu.vector_load %arg4[%swap3A_20] {strides = array<i32>} : memref<176xi32, #tpu.memory_space<vmem>>, vector<16xi32>,
      %swap3A_22 = vector.shape_cast %swap3A_21 : vector<16xi32> to vector<16xi32>
      %swap3A_23 = vector.shape_cast %broadcast_in_dim3A_4 : vector<16xi32> to vector<16xi32>
      tpu.vector_store %arg4[%swap3A_20], %swap3A_23 {strides = array<i32>} : memref<176xi32, #tpu.memory_space<vmem>>, vector<16xi32>,
      %swap3A_24 = arith.constant 80 : index
      %swap3A_25 = tpu.vector_load %arg4[%swap3A_24] {strides = array<i32>} : memref<176xi32, #tpu.memory_space<vmem>>, vector<16xi32>,
      %swap3A_26 = vector.shape_cast %swap3A_25 : vector<16xi32> to vector<16xi32>
      %swap3A_27 = vector.shape_cast %broadcast_in_dim3A_4 : vector<16xi32> to vector<16xi32>
      tpu.vector_store %arg4[%swap3A_24], %swap3A_27 {strides = array<i32>} : memref<176xi32, #tpu.memory_space<vmem>>, vector<16xi32>,
      %swap3A_28 = arith.constant 96 : index
      %swap3A_29 = tpu.vector_load %arg4[%swap3A_28] {strides = array<i32>} : memref<176xi32, #tpu.memory_space<vmem>>, vector<16xi32>,
      %swap3A_30 = vector.shape_cast %swap3A_29 : vector<16xi32> to vector<16xi32>
      %swap3A_31 = vector.shape_cast %broadcast_in_dim3A_4 : vector<16xi32> to vector<16xi32>
      tpu.vector_store %arg4[%swap3A_28], %swap3A_31 {strides = array<i32>} : memref<176xi32, #tpu.memory_space<vmem>>, vector<16xi32>,
      %swap3A_32 = arith.constant 112 : index
      %swap3A_33 = tpu.vector_load %arg4[%swap3A_32] {strides = array<i32>} : memref<176xi32, #tpu.memory_space<vmem>>, vector<16xi32>,
      %swap3A_34 = vector.shape_cast %swap3A_33 : vector<16xi32> to vector<16xi32>
      %swap3A_35 = vector.shape_cast %broadcast_in_dim3A_4 : vector<16xi32> to vector<16xi32>
      tpu.vector_store %arg4[%swap3A_32], %swap3A_35 {strides = array<i32>} : memref<176xi32, #tpu.memory_space<vmem>>, vector<16xi32>,
      %swap3A_36 = arith.constant 128 : index
      %swap3A_37 = tpu.vector_load %arg4[%swap3A_36] {strides = array<i32>} : memref<176xi32, #tpu.memory_space<vmem>>, vector<16xi32>,
      %swap3A_38 = vector.shape_cast %swap3A_37 : vector<16xi32> to vector<16xi32>
      %swap3A_39 = vector.shape_cast %broadcast_in_dim3A_4 : vector<16xi32> to vector<16xi32>
      tpu.vector_store %arg4[%swap3A_36], %swap3A_39 {strides = array<i32>} : memref<176xi32, #tpu.memory_space<vmem>>, vector<16xi32>,
      %swap3A_40 = arith.constant 144 : index
      %swap3A_41 = tpu.vector_load %arg4[%swap3A_40] {strides = array<i32>} : memref<176xi32, #tpu.memory_space<vmem>>, vector<16xi32>,
      %swap3A_42 = vector.shape_cast %swap3A_41 : vector<16xi32> to vector<16xi32>
      %swap3A_43 = vector.shape_cast %broadcast_in_dim3A_4 : vector<16xi32> to vector<16xi32>
      tpu.vector_store %arg4[%swap3A_40], %swap3A_43 {strides = array<i32>} : memref<176xi32, #tpu.memory_space<vmem>>, vector<16xi32>,
      %swap3A_44 = arith.constant 160 : index
      %swap3A_45 = tpu.vector_load %arg4[%swap3A_44] {strides = array<i32>} : memref<176xi32, #tpu.memory_space<vmem>>, vector<16xi32>,
      %swap3A_46 = vector.shape_cast %swap3A_45 : vector<16xi32> to vector<16xi32>
      %swap3A_47 = vector.shape_cast %broadcast_in_dim3A_4 : vector<16xi32> to vector<16xi32>
      tpu.vector_store %arg4[%swap3A_44], %swap3A_47 {strides = array<i32>} : memref<176xi32, #tpu.memory_space<vmem>>, vector<16xi32>,
      "tpu.region"() ({
        %run_scoped3A = tpu.sem_alloc : memref<!tpu.dma_semaphore, #tpu.memory_space<semaphore_mem>>
        %dma_start3A = arith.constant 0 : i32
        %dma_start3A_54 = arith.constant 0 : i32
        %dma_start3A_55 = tpu.memref_slice %arg2[%dma_start3A, %dma_start3A_54] : memref<5120x160xi32, #tpu.memory_space<hbm>> -> memref<128x160xi32, #tpu.memory_space<hbm>>
        %dma_start3A_56 = arith.constant 0 : i32
        %dma_start3A_57 = arith.constant 0 : i32
        %dma_start3A_58 = tpu.memref_slice %arg2[%dma_start3A_56, %dma_start3A_57] : memref<5120x160xi32, #tpu.memory_space<hbm>> -> memref<128x160xi32, #tpu.memory_space<hbm>>
        tpu.enqueue_dma source(%dma_start3A_58 : memref<128x160xi32, #tpu.memory_space<hbm>>) target(%arg5 : memref<128x160xi32, #tpu.memory_space<vmem>>) target_semaphore(%run_scoped3A : memref<!tpu.dma_semaphore, #tpu.memory_space<semaphore_mem>>)
        %dma_wait3A = arith.constant 0 : i32
        %dma_wait3A_59 = arith.constant 0 : i32
        %dma_wait3A_60 = tpu.memref_slice %arg2[%dma_wait3A, %dma_wait3A_59] : memref<5120x160xi32, #tpu.memory_space<hbm>> -> memref<128x160xi32, #tpu.memory_space<hbm>>
        %dma_wait3A_61 = arith.constant 0 : i32
        %dma_wait3A_62 = arith.constant 0 : i32
        %dma_wait3A_63 = tpu.memref_slice %arg2[%dma_wait3A_61, %dma_wait3A_62] : memref<5120x160xi32, #tpu.memory_space<hbm>> -> memref<128x160xi32, #tpu.memory_space<hbm>>
        tpu.wait_dma2 semaphore(%run_scoped3A : memref<!tpu.dma_semaphore, #tpu.memory_space<semaphore_mem>>) src(%dma_wait3A_63 : memref<128x160xi32, #tpu.memory_space<hbm>>) dst(%arg5 : memref<128x160xi32, #tpu.memory_space<vmem>>)
        tpu.yield
      }) : () -> ()
      %scan3A = arith.constant 0 : i32
      %scan3A_48 = arith.constant 0 : i32
      %scan3A_49 = arith.constant 20 : i32
      %scan3A_50 = arith.addi %scan3A_48, %scan3A_49 : i32
      %scan3A_51 = arith.constant 1 : i32
      %scan3A_52 = scf.for %scan3A_54 = %scan3A_48 to %scan3A_50 step %scan3A_51 iter_args(%scan3A_55 = %scan3A) -> (i32)  : i32 {
        %mul3A = arith.constant 2 : i32
        %mul3A_56 = arith.muli %mul3A, %scan3A_54 : i32
        %add3A = arith.constant 1 : i32
        %add3A_57 = arith.addi %mul3A_56, %add3A : i32
        %jit3A = arith.constant 40 : i32
        %eq3A_58 = arith.constant 0 : i32
        %eq3A_59 = arith.cmpi eq, %jit3A, %eq3A_58 : i32
        %jit3A_60 = arith.constant 1 : i32
        %select_n3A = arith.select %eq3A_59, %jit3A_60, %jit3A : i32
        %rem3A = arith.remsi %add3A_57, %select_n3A : i32
        %ne3A = arith.constant 0 : i32
        %ne3A_61 = arith.cmpi ne, %rem3A, %ne3A : i32
        %lt3A = arith.constant 0 : i32
        %lt3A_62 = arith.cmpi slt, %rem3A, %lt3A : i32
        %lt3A_63 = arith.constant 0 : i32
        %lt3A_64 = arith.cmpi slt, %select_n3A, %lt3A_63 : i32
        %ne3A_65 = arith.xori %lt3A_62, %lt3A_64 : i1
        %and3A_66 = arith.andi %ne3A_65, %ne3A_61 : i1
        %add3A_67 = arith.addi %rem3A, %select_n3A : i32
        %select_n3A_68 = arith.select %and3A_66, %add3A_67, %rem3A : i32
        %mul3A_69 = arith.constant 128 : i32
        %mul3A_70 = arith.muli %select_n3A_68, %mul3A_69 : i32
        %dma_start3A = arith.constant 0 : i32
        %dma_start3A_71 = tpu.memref_slice %arg2[%mul3A_70, %dma_start3A] : memref<5120x160xi32, #tpu.memory_space<hbm>> -> memref<128x160xi32, #tpu.memory_space<hbm>>
        %dma_start3A_72 = arith.constant 0 : i32
        %dma_start3A_73 = tpu.memref_slice %arg2[%mul3A_70, %dma_start3A_72] : memref<5120x160xi32, #tpu.memory_space<hbm>> -> memref<128x160xi32, #tpu.memory_space<hbm>>
        tpu.enqueue_dma source(%dma_start3A_73 : memref<128x160xi32, #tpu.memory_space<hbm>>) target(%arg6 : memref<128x160xi32, #tpu.memory_space<vmem>>) target_semaphore(%arg8 : memref<!tpu.dma_semaphore, #tpu.memory_space<semaphore_mem>>)
        %mul3A_74 = arith.constant 128 : i32
        %mul3A_75 = arith.muli %mul3A_56, %mul3A_74 : i32
        %iota3A = tpu.iota {dimensions = array<i32: 0>} : vector<16xi32>
        %scan3A_76 = arith.constant 0 : i32
        %scan3A_77 = arith.constant 0 : i32
        %scan3A_78 = arith.constant 128 : i32
        %scan3A_79 = arith.addi %scan3A_77, %scan3A_78 : i32
        %scan3A_80 = arith.constant 1 : i32
        %scan3A_81 = scf.for %scan3A_127 = %scan3A_77 to %scan3A_79 step %scan3A_80 iter_args(%scan3A_128 = %scan3A_76) -> (i32)  : i32 {
          %add3A_129 = arith.addi %mul3A_75, %scan3A_127 : i32
          %shift_right_arithmetic3A = arith.constant 5 : i32
          %shift_right_arithmetic3A_130 = arith.shrsi %add3A_129, %shift_right_arithmetic3A : i32
          %and3A_131 = arith.constant 31 : i32
          %and3A_132 = arith.andi %add3A_129, %and3A_131 : i32
          %get3A = arith.index_cast %shift_right_arithmetic3A_130 : i32 to index
          %get3A_133 = tpu.vector_load %arg4[%get3A] {strides = array<i32>} : memref<176xi32, #tpu.memory_space<vmem>>, vector<16xi32>,
          %get3A_134 = vector.shape_cast %get3A_133 : vector<16xi32> to vector<16xi32>
          %shift_right_arithmetic3A_135 = vector.broadcast %and3A_132 : i32 to vector<16xi32>
          %shift_right_arithmetic3A_136 = arith.shrsi %get3A_134, %shift_right_arithmetic3A_135 : vector<16xi32>
          %and3A_137 = arith.constant 1 : i32
          %and3A_138 = vector.broadcast %and3A_137 : i32 to vector<16xi32>
          %and3A_139 = arith.andi %shift_right_arithmetic3A_136, %and3A_138 : vector<16xi32>
          %slice3A = vector.extract_strided_slice %and3A_139 {offsets = [0], sizes = [1], strides = [1]} : vector<16xi32> to vector<1xi32>
          %squeeze3A = vector.extract %slice3A[0] : i32 from vector<1xi32>
          %eq3A_140 = arith.constant 0 : i32
          %eq3A_141 = arith.cmpi eq, %squeeze3A, %eq3A_140 : i32
          %convert_element_type3A_142 = arith.extui %eq3A_141 : i1 to i32
          %cond3A_143 = arith.constant 0 : i32
          %cond3A_144 = arith.cmpi ne, %convert_element_type3A_142, %cond3A_143 : i32
          scf.if %cond3A_144 {
            %get3A_146 = arith.constant 0 : index
            %get3A_147 = tpu.vector_load %arg4[%get3A_146] {strides = array<i32>} : memref<176xi32, #tpu.memory_space<vmem>>, vector<16xi32>,
            %get3A_148 = vector.shape_cast %get3A_147 : vector<16xi32> to vector<16xi32>
            %get3A_149 = arith.index_cast %scan3A_127 : i32 to index
            %get3A_150 = arith.constant 0 : index
            %get3A_151 = tpu.vector_load %arg5[%get3A_149, %get3A_150] {strides = array<i32>} : memref<128x160xi32, #tpu.memory_space<vmem>>, vector<1x16xi32>,
            %get3A_152 = vector.shape_cast %get3A_151 : vector<1x16xi32> to vector<16xi32>
            %or3A = arith.ori %get3A_148, %get3A_152 : vector<16xi32>
            %swap3A_153 = arith.constant 0 : index
            %swap3A_154 = tpu.vector_load %arg4[%swap3A_153] {strides = array<i32>} : memref<176xi32, #tpu.memory_space<vmem>>, vector<16xi32>,
            %swap3A_155 = vector.shape_cast %swap3A_154 : vector<16xi32> to vector<16xi32>
            %swap3A_156 = vector.shape_cast %or3A : vector<16xi32> to vector<16xi32>
            tpu.vector_store %arg4[%swap3A_153], %swap3A_156 {strides = array<i32>} : memref<176xi32, #tpu.memory_space<vmem>>, vector<16xi32>,
            %get3A_157 = arith.constant 16 : index
            %get3A_158 = tpu.vector_load %arg4[%get3A_157] {strides = array<i32>} : memref<176xi32, #tpu.memory_space<vmem>>, vector<16xi32>,
            %get3A_159 = vector.shape_cast %get3A_158 : vector<16xi32> to vector<16xi32>
            %get3A_160 = arith.index_cast %scan3A_127 : i32 to index
            %get3A_161 = arith.constant 16 : index
            %get3A_162 = tpu.vector_load %arg5[%get3A_160, %get3A_161] {strides = array<i32>} : memref<128x160xi32, #tpu.memory_space<vmem>>, vector<1x16xi32>,
            %get3A_163 = vector.shape_cast %get3A_162 : vector<1x16xi32> to vector<16xi32>
            %or3A_164 = arith.ori %get3A_159, %get3A_163 : vector<16xi32>
            %swap3A_165 = arith.constant 16 : index
            %swap3A_166 = tpu.vector_load %arg4[%swap3A_165] {strides = array<i32>} : memref<176xi32, #tpu.memory_space<vmem>>, vector<16xi32>,
            %swap3A_167 = vector.shape_cast %swap3A_166 : vector<16xi32> to vector<16xi32>
            %swap3A_168 = vector.shape_cast %or3A_164 : vector<16xi32> to vector<16xi32>
            tpu.vector_store %arg4[%swap3A_165], %swap3A_168 {strides = array<i32>} : memref<176xi32, #tpu.memory_space<vmem>>, vector<16xi32>,
            %get3A_169 = arith.constant 32 : index
            %get3A_170 = tpu.vector_load %arg4[%get3A_169] {strides = array<i32>} : memref<176xi32, #tpu.memory_space<vmem>>, vector<16xi32>,
            %get3A_171 = vector.shape_cast %get3A_170 : vector<16xi32> to vector<16xi32>
            %get3A_172 = arith.index_cast %scan3A_127 : i32 to index
            %get3A_173 = arith.constant 32 : index
            %get3A_174 = tpu.vector_load %arg5[%get3A_172, %get3A_173] {strides = array<i32>} : memref<128x160xi32, #tpu.memory_space<vmem>>, vector<1x16xi32>,
            %get3A_175 = vector.shape_cast %get3A_174 : vector<1x16xi32> to vector<16xi32>
            %or3A_176 = arith.ori %get3A_171, %get3A_175 : vector<16xi32>
            %swap3A_177 = arith.constant 32 : index
            %swap3A_178 = tpu.vector_load %arg4[%swap3A_177] {strides = array<i32>} : memref<176xi32, #tpu.memory_space<vmem>>, vector<16xi32>,
            %swap3A_179 = vector.shape_cast %swap3A_178 : vector<16xi32> to vector<16xi32>
            %swap3A_180 = vector.shape_cast %or3A_176 : vector<16xi32> to vector<16xi32>
            tpu.vector_store %arg4[%swap3A_177], %swap3A_180 {strides = array<i32>} : memref<176xi32, #tpu.memory_space<vmem>>, vector<16xi32>,
            %get3A_181 = arith.constant 48 : index
            %get3A_182 = tpu.vector_load %arg4[%get3A_181] {strides = array<i32>} : memref<176xi32, #tpu.memory_space<vmem>>, vector<16xi32>,
            %get3A_183 = vector.shape_cast %get3A_182 : vector<16xi32> to vector<16xi32>
            %get3A_184 = arith.index_cast %scan3A_127 : i32 to index
            %get3A_185 = arith.constant 48 : index
            %get3A_186 = tpu.vector_load %arg5[%get3A_184, %get3A_185] {strides = array<i32>} : memref<128x160xi32, #tpu.memory_space<vmem>>, vector<1x16xi32>,
            %get3A_187 = vector.shape_cast %get3A_186 : vector<1x16xi32> to vector<16xi32>
            %or3A_188 = arith.ori %get3A_183, %get3A_187 : vector<16xi32>
            %swap3A_189 = arith.constant 48 : index
            %swap3A_190 = tpu.vector_load %arg4[%swap3A_189] {strides = array<i32>} : memref<176xi32, #tpu.memory_space<vmem>>, vector<16xi32>,
            %swap3A_191 = vector.shape_cast %swap3A_190 : vector<16xi32> to vector<16xi32>
            %swap3A_192 = vector.shape_cast %or3A_188 : vector<16xi32> to vector<16xi32>
            tpu.vector_store %arg4[%swap3A_189], %swap3A_192 {strides = array<i32>} : memref<176xi32, #tpu.memory_space<vmem>>, vector<16xi32>,
            %get3A_193 = arith.constant 64 : index
            %get3A_194 = tpu.vector_load %arg4[%get3A_193] {strides = array<i32>} : memref<176xi32, #tpu.memory_space<vmem>>, vector<16xi32>,
            %get3A_195 = vector.shape_cast %get3A_194 : vector<16xi32> to vector<16xi32>
            %get3A_196 = arith.index_cast %scan3A_127 : i32 to index
            %get3A_197 = arith.constant 64 : index
            %get3A_198 = tpu.vector_load %arg5[%get3A_196, %get3A_197] {strides = array<i32>} : memref<128x160xi32, #tpu.memory_space<vmem>>, vector<1x16xi32>,
            %get3A_199 = vector.shape_cast %get3A_198 : vector<1x16xi32> to vector<16xi32>
            %or3A_200 = arith.ori %get3A_195, %get3A_199 : vector<16xi32>
            %swap3A_201 = arith.constant 64 : index
            %swap3A_202 = tpu.vector_load %arg4[%swap3A_201] {strides = array<i32>} : memref<176xi32, #tpu.memory_space<vmem>>, vector<16xi32>,
            %swap3A_203 = vector.shape_cast %swap3A_202 : vector<16xi32> to vector<16xi32>
            %swap3A_204 = vector.shape_cast %or3A_200 : vector<16xi32> to vector<16xi32>
            tpu.vector_store %arg4[%swap3A_201], %swap3A_204 {strides = array<i32>} : memref<176xi32, #tpu.memory_space<vmem>>, vector<16xi32>,
            %get3A_205 = arith.constant 80 : index
            %get3A_206 = tpu.vector_load %arg4[%get3A_205] {strides = array<i32>} : memref<176xi32, #tpu.memory_space<vmem>>, vector<16xi32>,
            %get3A_207 = vector.shape_cast %get3A_206 : vector<16xi32> to vector<16xi32>
            %get3A_208 = arith.index_cast %scan3A_127 : i32 to index
            %get3A_209 = arith.constant 80 : index
            %get3A_210 = tpu.vector_load %arg5[%get3A_208, %get3A_209] {strides = array<i32>} : memref<128x160xi32, #tpu.memory_space<vmem>>, vector<1x16xi32>,
            %get3A_211 = vector.shape_cast %get3A_210 : vector<1x16xi32> to vector<16xi32>
            %or3A_212 = arith.ori %get3A_207, %get3A_211 : vector<16xi32>
            %swap3A_213 = arith.constant 80 : index
            %swap3A_214 = tpu.vector_load %arg4[%swap3A_213] {strides = array<i32>} : memref<176xi32, #tpu.memory_space<vmem>>, vector<16xi32>,
            %swap3A_215 = vector.shape_cast %swap3A_214 : vector<16xi32> to vector<16xi32>
            %swap3A_216 = vector.shape_cast %or3A_212 : vector<16xi32> to vector<16xi32>
            tpu.vector_store %arg4[%swap3A_213], %swap3A_216 {strides = array<i32>} : memref<176xi32, #tpu.memory_space<vmem>>, vector<16xi32>,
            %get3A_217 = arith.constant 96 : index
            %get3A_218 = tpu.vector_load %arg4[%get3A_217] {strides = array<i32>} : memref<176xi32, #tpu.memory_space<vmem>>, vector<16xi32>,
            %get3A_219 = vector.shape_cast %get3A_218 : vector<16xi32> to vector<16xi32>
            %get3A_220 = arith.index_cast %scan3A_127 : i32 to index
            %get3A_221 = arith.constant 96 : index
            %get3A_222 = tpu.vector_load %arg5[%get3A_220, %get3A_221] {strides = array<i32>} : memref<128x160xi32, #tpu.memory_space<vmem>>, vector<1x16xi32>,
            %get3A_223 = vector.shape_cast %get3A_222 : vector<1x16xi32> to vector<16xi32>
            %or3A_224 = arith.ori %get3A_219, %get3A_223 : vector<16xi32>
            %swap3A_225 = arith.constant 96 : index
            %swap3A_226 = tpu.vector_load %arg4[%swap3A_225] {strides = array<i32>} : memref<176xi32, #tpu.memory_space<vmem>>, vector<16xi32>,
            %swap3A_227 = vector.shape_cast %swap3A_226 : vector<16xi32> to vector<16xi32>
            %swap3A_228 = vector.shape_cast %or3A_224 : vector<16xi32> to vector<16xi32>
            tpu.vector_store %arg4[%swap3A_225], %swap3A_228 {strides = array<i32>} : memref<176xi32, #tpu.memory_space<vmem>>, vector<16xi32>,
            %get3A_229 = arith.constant 112 : index
            %get3A_230 = tpu.vector_load %arg4[%get3A_229] {strides = array<i32>} : memref<176xi32, #tpu.memory_space<vmem>>, vector<16xi32>,
            %get3A_231 = vector.shape_cast %get3A_230 : vector<16xi32> to vector<16xi32>
            %get3A_232 = arith.index_cast %scan3A_127 : i32 to index
            %get3A_233 = arith.constant 112 : index
            %get3A_234 = tpu.vector_load %arg5[%get3A_232, %get3A_233] {strides = array<i32>} : memref<128x160xi32, #tpu.memory_space<vmem>>, vector<1x16xi32>,
            %get3A_235 = vector.shape_cast %get3A_234 : vector<1x16xi32> to vector<16xi32>
            %or3A_236 = arith.ori %get3A_231, %get3A_235 : vector<16xi32>
            %swap3A_237 = arith.constant 112 : index
            %swap3A_238 = tpu.vector_load %arg4[%swap3A_237] {strides = array<i32>} : memref<176xi32, #tpu.memory_space<vmem>>, vector<16xi32>,
            %swap3A_239 = vector.shape_cast %swap3A_238 : vector<16xi32> to vector<16xi32>
            %swap3A_240 = vector.shape_cast %or3A_236 : vector<16xi32> to vector<16xi32>
            tpu.vector_store %arg4[%swap3A_237], %swap3A_240 {strides = array<i32>} : memref<176xi32, #tpu.memory_space<vmem>>, vector<16xi32>,
            %get3A_241 = arith.constant 128 : index
            %get3A_242 = tpu.vector_load %arg4[%get3A_241] {strides = array<i32>} : memref<176xi32, #tpu.memory_space<vmem>>, vector<16xi32>,
            %get3A_243 = vector.shape_cast %get3A_242 : vector<16xi32> to vector<16xi32>
            %get3A_244 = arith.index_cast %scan3A_127 : i32 to index
            %get3A_245 = arith.constant 128 : index
            %get3A_246 = tpu.vector_load %arg5[%get3A_244, %get3A_245] {strides = array<i32>} : memref<128x160xi32, #tpu.memory_space<vmem>>, vector<1x16xi32>,
            %get3A_247 = vector.shape_cast %get3A_246 : vector<1x16xi32> to vector<16xi32>
            %or3A_248 = arith.ori %get3A_243, %get3A_247 : vector<16xi32>
            %swap3A_249 = arith.constant 128 : index
            %swap3A_250 = tpu.vector_load %arg4[%swap3A_249] {strides = array<i32>} : memref<176xi32, #tpu.memory_space<vmem>>, vector<16xi32>,
            %swap3A_251 = vector.shape_cast %swap3A_250 : vector<16xi32> to vector<16xi32>
            %swap3A_252 = vector.shape_cast %or3A_248 : vector<16xi32> to vector<16xi32>
            tpu.vector_store %arg4[%swap3A_249], %swap3A_252 {strides = array<i32>} : memref<176xi32, #tpu.memory_space<vmem>>, vector<16xi32>,
            %get3A_253 = arith.constant 144 : index
            %get3A_254 = tpu.vector_load %arg4[%get3A_253] {strides = array<i32>} : memref<176xi32, #tpu.memory_space<vmem>>, vector<16xi32>,
            %get3A_255 = vector.shape_cast %get3A_254 : vector<16xi32> to vector<16xi32>
            %get3A_256 = arith.index_cast %scan3A_127 : i32 to index
            %get3A_257 = arith.constant 144 : index
            %get3A_258 = tpu.vector_load %arg5[%get3A_256, %get3A_257] {strides = array<i32>} : memref<128x160xi32, #tpu.memory_space<vmem>>, vector<1x16xi32>,
            %get3A_259 = vector.shape_cast %get3A_258 : vector<1x16xi32> to vector<16xi32>
            %or3A_260 = arith.ori %get3A_255, %get3A_259 : vector<16xi32>
            %swap3A_261 = arith.constant 144 : index
            %swap3A_262 = tpu.vector_load %arg4[%swap3A_261] {strides = array<i32>} : memref<176xi32, #tpu.memory_space<vmem>>, vector<16xi32>,
            %swap3A_263 = vector.shape_cast %swap3A_262 : vector<16xi32> to vector<16xi32>
            %swap3A_264 = vector.shape_cast %or3A_260 : vector<16xi32> to vector<16xi32>
            tpu.vector_store %arg4[%swap3A_261], %swap3A_264 {strides = array<i32>} : memref<176xi32, #tpu.memory_space<vmem>>, vector<16xi32>,
          } else {
          }
          %scan3A_145 = arith.constant 0 : i32
          scf.yield %scan3A_145 : i32
        }
        %scan3A_82 = arith.constant 128 : i32
        %dma_wait3A = arith.constant 0 : i32
        %dma_wait3A_83 = tpu.memref_slice %arg2[%mul3A_70, %dma_wait3A] : memref<5120x160xi32, #tpu.memory_space<hbm>> -> memref<128x160xi32, #tpu.memory_space<hbm>>
        %dma_wait3A_84 = arith.constant 0 : i32
        %dma_wait3A_85 = tpu.memref_slice %arg2[%mul3A_70, %dma_wait3A_84] : memref<5120x160xi32, #tpu.memory_space<hbm>> -> memref<128x160xi32, #tpu.memory_space<hbm>>
        tpu.wait_dma2 semaphore(%arg8 : memref<!tpu.dma_semaphore, #tpu.memory_space<semaphore_mem>>) src(%dma_wait3A_85 : memref<128x160xi32, #tpu.memory_space<hbm>>) dst(%arg6 : memref<128x160xi32, #tpu.memory_space<vmem>>)
        %add3A_86 = arith.constant 2 : i32
        %add3A_87 = arith.addi %mul3A_56, %add3A_86 : i32
        %jit3A_88 = arith.constant 40 : i32
        %eq3A_89 = arith.constant 0 : i32
        %eq3A_90 = arith.cmpi eq, %jit3A_88, %eq3A_89 : i32
        %jit3A_91 = arith.constant 1 : i32
        %select_n3A_92 = arith.select %eq3A_90, %jit3A_91, %jit3A_88 : i32
        %rem3A_93 = arith.remsi %add3A_87, %select_n3A_92 : i32
        %ne3A_94 = arith.constant 0 : i32
        %ne3A_95 = arith.cmpi ne, %rem3A_93, %ne3A_94 : i32
        %lt3A_96 = arith.constant 0 : i32
        %lt3A_97 = arith.cmpi slt, %rem3A_93, %lt3A_96 : i32
        %lt3A_98 = arith.constant 0 : i32
        %lt3A_99 = arith.cmpi slt, %select_n3A_92, %lt3A_98 : i32
        %ne3A_100 = arith.xori %lt3A_97, %lt3A_99 : i1
        %and3A_101 = arith.andi %ne3A_100, %ne3A_95 : i1
        %add3A_102 = arith.addi %rem3A_93, %select_n3A_92 : i32
        %select_n3A_103 = arith.select %and3A_101, %add3A_102, %rem3A_93 : i32
        %mul3A_104 = arith.constant 128 : i32
        %mul3A_105 = arith.muli %select_n3A_103, %mul3A_104 : i32
        %dma_start3A_106 = arith.constant 0 : i32
        %dma_start3A_107 = tpu.memref_slice %arg2[%mul3A_105, %dma_start3A_106] : memref<5120x160xi32, #tpu.memory_space<hbm>> -> memref<128x160xi32, #tpu.memory_space<hbm>>
        %dma_start3A_108 = arith.constant 0 : i32
        %dma_start3A_109 = tpu.memref_slice %arg2[%mul3A_105, %dma_start3A_108] : memref<5120x160xi32, #tpu.memory_space<hbm>> -> memref<128x160xi32, #tpu.memory_space<hbm>>
        tpu.enqueue_dma source(%dma_start3A_109 : memref<128x160xi32, #tpu.memory_space<hbm>>) target(%arg5 : memref<128x160xi32, #tpu.memory_space<vmem>>) target_semaphore(%arg7 : memref<!tpu.dma_semaphore, #tpu.memory_space<semaphore_mem>>)
        %add3A_110 = arith.constant 1 : i32
        %add3A_111 = arith.addi %mul3A_56, %add3A_110 : i32
        %mul3A_112 = arith.constant 128 : i32
        %mul3A_113 = arith.muli %add3A_111, %mul3A_112 : i32
        %iota3A_114 = tpu.iota {dimensions = array<i32: 0>} : vector<16xi32>
        %scan3A_115 = arith.constant 0 : i32
        %scan3A_116 = arith.constant 0 : i32
        %scan3A_117 = arith.constant 128 : i32
        %scan3A_118 = arith.addi %scan3A_116, %scan3A_117 : i32
        %scan3A_119 = arith.constant 1 : i32
        %scan3A_120 = scf.for %scan3A_127 = %scan3A_116 to %scan3A_118 step %scan3A_119 iter_args(%scan3A_128 = %scan3A_115) -> (i32)  : i32 {
          %add3A_129 = arith.addi %mul3A_113, %scan3A_127 : i32
          %shift_right_arithmetic3A = arith.constant 5 : i32
          %shift_right_arithmetic3A_130 = arith.shrsi %add3A_129, %shift_right_arithmetic3A : i32
          %and3A_131 = arith.constant 31 : i32
          %and3A_132 = arith.andi %add3A_129, %and3A_131 : i32
          %get3A = arith.index_cast %shift_right_arithmetic3A_130 : i32 to index
          %get3A_133 = tpu.vector_load %arg4[%get3A] {strides = array<i32>} : memref<176xi32, #tpu.memory_space<vmem>>, vector<16xi32>,
          %get3A_134 = vector.shape_cast %get3A_133 : vector<16xi32> to vector<16xi32>
          %shift_right_arithmetic3A_135 = vector.broadcast %and3A_132 : i32 to vector<16xi32>
          %shift_right_arithmetic3A_136 = arith.shrsi %get3A_134, %shift_right_arithmetic3A_135 : vector<16xi32>
          %and3A_137 = arith.constant 1 : i32
          %and3A_138 = vector.broadcast %and3A_137 : i32 to vector<16xi32>
          %and3A_139 = arith.andi %shift_right_arithmetic3A_136, %and3A_138 : vector<16xi32>
          %slice3A = vector.extract_strided_slice %and3A_139 {offsets = [0], sizes = [1], strides = [1]} : vector<16xi32> to vector<1xi32>
          %squeeze3A = vector.extract %slice3A[0] : i32 from vector<1xi32>
          %eq3A_140 = arith.constant 0 : i32
          %eq3A_141 = arith.cmpi eq, %squeeze3A, %eq3A_140 : i32
          %convert_element_type3A_142 = arith.extui %eq3A_141 : i1 to i32
          %cond3A_143 = arith.constant 0 : i32
          %cond3A_144 = arith.cmpi ne, %convert_element_type3A_142, %cond3A_143 : i32
          scf.if %cond3A_144 {
            %get3A_146 = arith.constant 0 : index
            %get3A_147 = tpu.vector_load %arg4[%get3A_146] {strides = array<i32>} : memref<176xi32, #tpu.memory_space<vmem>>, vector<16xi32>,
            %get3A_148 = vector.shape_cast %get3A_147 : vector<16xi32> to vector<16xi32>
            %get3A_149 = arith.index_cast %scan3A_127 : i32 to index
            %get3A_150 = arith.constant 0 : index
            %get3A_151 = tpu.vector_load %arg6[%get3A_149, %get3A_150] {strides = array<i32>} : memref<128x160xi32, #tpu.memory_space<vmem>>, vector<1x16xi32>,
            %get3A_152 = vector.shape_cast %get3A_151 : vector<1x16xi32> to vector<16xi32>
            %or3A = arith.ori %get3A_148, %get3A_152 : vector<16xi32>
            %swap3A_153 = arith.constant 0 : index
            %swap3A_154 = tpu.vector_load %arg4[%swap3A_153] {strides = array<i32>} : memref<176xi32, #tpu.memory_space<vmem>>, vector<16xi32>,
            %swap3A_155 = vector.shape_cast %swap3A_154 : vector<16xi32> to vector<16xi32>
            %swap3A_156 = vector.shape_cast %or3A : vector<16xi32> to vector<16xi32>
            tpu.vector_store %arg4[%swap3A_153], %swap3A_156 {strides = array<i32>} : memref<176xi32, #tpu.memory_space<vmem>>, vector<16xi32>,
            %get3A_157 = arith.constant 16 : index
            %get3A_158 = tpu.vector_load %arg4[%get3A_157] {strides = array<i32>} : memref<176xi32, #tpu.memory_space<vmem>>, vector<16xi32>,
            %get3A_159 = vector.shape_cast %get3A_158 : vector<16xi32> to vector<16xi32>
            %get3A_160 = arith.index_cast %scan3A_127 : i32 to index
            %get3A_161 = arith.constant 16 : index
            %get3A_162 = tpu.vector_load %arg6[%get3A_160, %get3A_161] {strides = array<i32>} : memref<128x160xi32, #tpu.memory_space<vmem>>, vector<1x16xi32>,
            %get3A_163 = vector.shape_cast %get3A_162 : vector<1x16xi32> to vector<16xi32>
            %or3A_164 = arith.ori %get3A_159, %get3A_163 : vector<16xi32>
            %swap3A_165 = arith.constant 16 : index
            %swap3A_166 = tpu.vector_load %arg4[%swap3A_165] {strides = array<i32>} : memref<176xi32, #tpu.memory_space<vmem>>, vector<16xi32>,
            %swap3A_167 = vector.shape_cast %swap3A_166 : vector<16xi32> to vector<16xi32>
            %swap3A_168 = vector.shape_cast %or3A_164 : vector<16xi32> to vector<16xi32>
            tpu.vector_store %arg4[%swap3A_165], %swap3A_168 {strides = array<i32>} : memref<176xi32, #tpu.memory_space<vmem>>, vector<16xi32>,
            %get3A_169 = arith.constant 32 : index
            %get3A_170 = tpu.vector_load %arg4[%get3A_169] {strides = array<i32>} : memref<176xi32, #tpu.memory_space<vmem>>, vector<16xi32>,
            %get3A_171 = vector.shape_cast %get3A_170 : vector<16xi32> to vector<16xi32>
            %get3A_172 = arith.index_cast %scan3A_127 : i32 to index
            %get3A_173 = arith.constant 32 : index
            %get3A_174 = tpu.vector_load %arg6[%get3A_172, %get3A_173] {strides = array<i32>} : memref<128x160xi32, #tpu.memory_space<vmem>>, vector<1x16xi32>,
            %get3A_175 = vector.shape_cast %get3A_174 : vector<1x16xi32> to vector<16xi32>
            %or3A_176 = arith.ori %get3A_171, %get3A_175 : vector<16xi32>
            %swap3A_177 = arith.constant 32 : index
            %swap3A_178 = tpu.vector_load %arg4[%swap3A_177] {strides = array<i32>} : memref<176xi32, #tpu.memory_space<vmem>>, vector<16xi32>,
            %swap3A_179 = vector.shape_cast %swap3A_178 : vector<16xi32> to vector<16xi32>
            %swap3A_180 = vector.shape_cast %or3A_176 : vector<16xi32> to vector<16xi32>
            tpu.vector_store %arg4[%swap3A_177], %swap3A_180 {strides = array<i32>} : memref<176xi32, #tpu.memory_space<vmem>>, vector<16xi32>,
            %get3A_181 = arith.constant 48 : index
            %get3A_182 = tpu.vector_load %arg4[%get3A_181] {strides = array<i32>} : memref<176xi32, #tpu.memory_space<vmem>>, vector<16xi32>,
            %get3A_183 = vector.shape_cast %get3A_182 : vector<16xi32> to vector<16xi32>
            %get3A_184 = arith.index_cast %scan3A_127 : i32 to index
            %get3A_185 = arith.constant 48 : index
            %get3A_186 = tpu.vector_load %arg6[%get3A_184, %get3A_185] {strides = array<i32>} : memref<128x160xi32, #tpu.memory_space<vmem>>, vector<1x16xi32>,
            %get3A_187 = vector.shape_cast %get3A_186 : vector<1x16xi32> to vector<16xi32>
            %or3A_188 = arith.ori %get3A_183, %get3A_187 : vector<16xi32>
            %swap3A_189 = arith.constant 48 : index
            %swap3A_190 = tpu.vector_load %arg4[%swap3A_189] {strides = array<i32>} : memref<176xi32, #tpu.memory_space<vmem>>, vector<16xi32>,
            %swap3A_191 = vector.shape_cast %swap3A_190 : vector<16xi32> to vector<16xi32>
            %swap3A_192 = vector.shape_cast %or3A_188 : vector<16xi32> to vector<16xi32>
            tpu.vector_store %arg4[%swap3A_189], %swap3A_192 {strides = array<i32>} : memref<176xi32, #tpu.memory_space<vmem>>, vector<16xi32>,
            %get3A_193 = arith.constant 64 : index
            %get3A_194 = tpu.vector_load %arg4[%get3A_193] {strides = array<i32>} : memref<176xi32, #tpu.memory_space<vmem>>, vector<16xi32>,
            %get3A_195 = vector.shape_cast %get3A_194 : vector<16xi32> to vector<16xi32>
            %get3A_196 = arith.index_cast %scan3A_127 : i32 to index
            %get3A_197 = arith.constant 64 : index
            %get3A_198 = tpu.vector_load %arg6[%get3A_196, %get3A_197] {strides = array<i32>} : memref<128x160xi32, #tpu.memory_space<vmem>>, vector<1x16xi32>,
            %get3A_199 = vector.shape_cast %get3A_198 : vector<1x16xi32> to vector<16xi32>
            %or3A_200 = arith.ori %get3A_195, %get3A_199 : vector<16xi32>
            %swap3A_201 = arith.constant 64 : index
            %swap3A_202 = tpu.vector_load %arg4[%swap3A_201] {strides = array<i32>} : memref<176xi32, #tpu.memory_space<vmem>>, vector<16xi32>,
            %swap3A_203 = vector.shape_cast %swap3A_202 : vector<16xi32> to vector<16xi32>
            %swap3A_204 = vector.shape_cast %or3A_200 : vector<16xi32> to vector<16xi32>
            tpu.vector_store %arg4[%swap3A_201], %swap3A_204 {strides = array<i32>} : memref<176xi32, #tpu.memory_space<vmem>>, vector<16xi32>,
            %get3A_205 = arith.constant 80 : index
            %get3A_206 = tpu.vector_load %arg4[%get3A_205] {strides = array<i32>} : memref<176xi32, #tpu.memory_space<vmem>>, vector<16xi32>,
            %get3A_207 = vector.shape_cast %get3A_206 : vector<16xi32> to vector<16xi32>
            %get3A_208 = arith.index_cast %scan3A_127 : i32 to index
            %get3A_209 = arith.constant 80 : index
            %get3A_210 = tpu.vector_load %arg6[%get3A_208, %get3A_209] {strides = array<i32>} : memref<128x160xi32, #tpu.memory_space<vmem>>, vector<1x16xi32>,
            %get3A_211 = vector.shape_cast %get3A_210 : vector<1x16xi32> to vector<16xi32>
            %or3A_212 = arith.ori %get3A_207, %get3A_211 : vector<16xi32>
            %swap3A_213 = arith.constant 80 : index
            %swap3A_214 = tpu.vector_load %arg4[%swap3A_213] {strides = array<i32>} : memref<176xi32, #tpu.memory_space<vmem>>, vector<16xi32>,
            %swap3A_215 = vector.shape_cast %swap3A_214 : vector<16xi32> to vector<16xi32>
            %swap3A_216 = vector.shape_cast %or3A_212 : vector<16xi32> to vector<16xi32>
            tpu.vector_store %arg4[%swap3A_213], %swap3A_216 {strides = array<i32>} : memref<176xi32, #tpu.memory_space<vmem>>, vector<16xi32>,
            %get3A_217 = arith.constant 96 : index
            %get3A_218 = tpu.vector_load %arg4[%get3A_217] {strides = array<i32>} : memref<176xi32, #tpu.memory_space<vmem>>, vector<16xi32>,
            %get3A_219 = vector.shape_cast %get3A_218 : vector<16xi32> to vector<16xi32>
            %get3A_220 = arith.index_cast %scan3A_127 : i32 to index
            %get3A_221 = arith.constant 96 : index
            %get3A_222 = tpu.vector_load %arg6[%get3A_220, %get3A_221] {strides = array<i32>} : memref<128x160xi32, #tpu.memory_space<vmem>>, vector<1x16xi32>,
            %get3A_223 = vector.shape_cast %get3A_222 : vector<1x16xi32> to vector<16xi32>
            %or3A_224 = arith.ori %get3A_219, %get3A_223 : vector<16xi32>
            %swap3A_225 = arith.constant 96 : index
            %swap3A_226 = tpu.vector_load %arg4[%swap3A_225] {strides = array<i32>} : memref<176xi32, #tpu.memory_space<vmem>>, vector<16xi32>,
            %swap3A_227 = vector.shape_cast %swap3A_226 : vector<16xi32> to vector<16xi32>
            %swap3A_228 = vector.shape_cast %or3A_224 : vector<16xi32> to vector<16xi32>
            tpu.vector_store %arg4[%swap3A_225], %swap3A_228 {strides = array<i32>} : memref<176xi32, #tpu.memory_space<vmem>>, vector<16xi32>,
            %get3A_229 = arith.constant 112 : index
            %get3A_230 = tpu.vector_load %arg4[%get3A_229] {strides = array<i32>} : memref<176xi32, #tpu.memory_space<vmem>>, vector<16xi32>,
            %get3A_231 = vector.shape_cast %get3A_230 : vector<16xi32> to vector<16xi32>
            %get3A_232 = arith.index_cast %scan3A_127 : i32 to index
            %get3A_233 = arith.constant 112 : index
            %get3A_234 = tpu.vector_load %arg6[%get3A_232, %get3A_233] {strides = array<i32>} : memref<128x160xi32, #tpu.memory_space<vmem>>, vector<1x16xi32>,
            %get3A_235 = vector.shape_cast %get3A_234 : vector<1x16xi32> to vector<16xi32>
            %or3A_236 = arith.ori %get3A_231, %get3A_235 : vector<16xi32>
            %swap3A_237 = arith.constant 112 : index
            %swap3A_238 = tpu.vector_load %arg4[%swap3A_237] {strides = array<i32>} : memref<176xi32, #tpu.memory_space<vmem>>, vector<16xi32>,
            %swap3A_239 = vector.shape_cast %swap3A_238 : vector<16xi32> to vector<16xi32>
            %swap3A_240 = vector.shape_cast %or3A_236 : vector<16xi32> to vector<16xi32>
            tpu.vector_store %arg4[%swap3A_237], %swap3A_240 {strides = array<i32>} : memref<176xi32, #tpu.memory_space<vmem>>, vector<16xi32>,
            %get3A_241 = arith.constant 128 : index
            %get3A_242 = tpu.vector_load %arg4[%get3A_241] {strides = array<i32>} : memref<176xi32, #tpu.memory_space<vmem>>, vector<16xi32>,
            %get3A_243 = vector.shape_cast %get3A_242 : vector<16xi32> to vector<16xi32>
            %get3A_244 = arith.index_cast %scan3A_127 : i32 to index
            %get3A_245 = arith.constant 128 : index
            %get3A_246 = tpu.vector_load %arg6[%get3A_244, %get3A_245] {strides = array<i32>} : memref<128x160xi32, #tpu.memory_space<vmem>>, vector<1x16xi32>,
            %get3A_247 = vector.shape_cast %get3A_246 : vector<1x16xi32> to vector<16xi32>
            %or3A_248 = arith.ori %get3A_243, %get3A_247 : vector<16xi32>
            %swap3A_249 = arith.constant 128 : index
            %swap3A_250 = tpu.vector_load %arg4[%swap3A_249] {strides = array<i32>} : memref<176xi32, #tpu.memory_space<vmem>>, vector<16xi32>,
            %swap3A_251 = vector.shape_cast %swap3A_250 : vector<16xi32> to vector<16xi32>
            %swap3A_252 = vector.shape_cast %or3A_248 : vector<16xi32> to vector<16xi32>
            tpu.vector_store %arg4[%swap3A_249], %swap3A_252 {strides = array<i32>} : memref<176xi32, #tpu.memory_space<vmem>>, vector<16xi32>,
            %get3A_253 = arith.constant 144 : index
            %get3A_254 = tpu.vector_load %arg4[%get3A_253] {strides = array<i32>} : memref<176xi32, #tpu.memory_space<vmem>>, vector<16xi32>,
            %get3A_255 = vector.shape_cast %get3A_254 : vector<16xi32> to vector<16xi32>
            %get3A_256 = arith.index_cast %scan3A_127 : i32 to index
            %get3A_257 = arith.constant 144 : index
            %get3A_258 = tpu.vector_load %arg6[%get3A_256, %get3A_257] {strides = array<i32>} : memref<128x160xi32, #tpu.memory_space<vmem>>, vector<1x16xi32>,
            %get3A_259 = vector.shape_cast %get3A_258 : vector<1x16xi32> to vector<16xi32>
            %or3A_260 = arith.ori %get3A_255, %get3A_259 : vector<16xi32>
            %swap3A_261 = arith.constant 144 : index
            %swap3A_262 = tpu.vector_load %arg4[%swap3A_261] {strides = array<i32>} : memref<176xi32, #tpu.memory_space<vmem>>, vector<16xi32>,
            %swap3A_263 = vector.shape_cast %swap3A_262 : vector<16xi32> to vector<16xi32>
            %swap3A_264 = vector.shape_cast %or3A_260 : vector<16xi32> to vector<16xi32>
            tpu.vector_store %arg4[%swap3A_261], %swap3A_264 {strides = array<i32>} : memref<176xi32, #tpu.memory_space<vmem>>, vector<16xi32>,
          } else {
          }
          %scan3A_145 = arith.constant 0 : i32
          scf.yield %scan3A_145 : i32
        }
        %scan3A_121 = arith.constant 128 : i32
        %dma_wait3A_122 = arith.constant 0 : i32
        %dma_wait3A_123 = tpu.memref_slice %arg2[%mul3A_105, %dma_wait3A_122] : memref<5120x160xi32, #tpu.memory_space<hbm>> -> memref<128x160xi32, #tpu.memory_space<hbm>>
        %dma_wait3A_124 = arith.constant 0 : i32
        %dma_wait3A_125 = tpu.memref_slice %arg2[%mul3A_105, %dma_wait3A_124] : memref<5120x160xi32, #tpu.memory_space<hbm>> -> memref<128x160xi32, #tpu.memory_space<hbm>>
        tpu.wait_dma2 semaphore(%arg7 : memref<!tpu.dma_semaphore, #tpu.memory_space<semaphore_mem>>) src(%dma_wait3A_125 : memref<128x160xi32, #tpu.memory_space<hbm>>) dst(%arg5 : memref<128x160xi32, #tpu.memory_space<vmem>>)
        %scan3A_126 = arith.constant 0 : i32
        scf.yield %scan3A_126 : i32
      }
      %scan3A_53 = arith.constant 20 : i32
      "tpu.region"() ({
        %run_scoped3A = tpu.sem_alloc : memref<!tpu.dma_semaphore, #tpu.memory_space<semaphore_mem>>
        %dma_start3A = arith.constant 0 : i32
        %dma_start3A_54 = tpu.memref_slice %arg4[%dma_start3A] : memref<176xi32, #tpu.memory_space<vmem>> -> memref<160xi32, #tpu.memory_space<vmem>>
        %dma_start3A_55 = arith.constant 0 : i32
        %dma_start3A_56 = tpu.memref_slice %arg4[%dma_start3A_55] : memref<176xi32, #tpu.memory_space<vmem>> -> memref<160xi32, #tpu.memory_space<vmem>>
        tpu.enqueue_dma source(%dma_start3A_56 : memref<160xi32, #tpu.memory_space<vmem>>) target(%arg3 : memref<160xi32, #tpu.memory_space<hbm>>) target_semaphore(%run_scoped3A : memref<!tpu.dma_semaphore, #tpu.memory_space<semaphore_mem>>)
        %dma_wait3A = arith.constant 0 : i32
        %dma_wait3A_57 = tpu.memref_slice %arg4[%dma_wait3A] : memref<176xi32, #tpu.memory_space<vmem>> -> memref<160xi32, #tpu.memory_space<vmem>>
        %dma_wait3A_58 = arith.constant 0 : i32
        %dma_wait3A_59 = tpu.memref_slice %arg4[%dma_wait3A_58] : memref<176xi32, #tpu.memory_space<vmem>> -> memref<160xi32, #tpu.memory_space<vmem>>
        tpu.wait_dma2 semaphore(%run_scoped3A : memref<!tpu.dma_semaphore, #tpu.memory_space<semaphore_mem>>) src(%dma_wait3A_59 : memref<160xi32, #tpu.memory_space<vmem>>) dst(%arg3 : memref<160xi32, #tpu.memory_space<hbm>>)
        tpu.yield
      }) : () -> ()
    } else {
    }
    return
  }
}

module attributes {stable_mosaic.version = 14 : i64} {
  func.func @_pack_body(%arg0: i32, %arg1: memref<20x256xf32, #tpu.memory_space<vmem>>, %arg2: memref<20x256xf32, #tpu.memory_space<vmem>>, %arg3: memref<20x256xf32, #tpu.memory_space<vmem>>, %arg4: memref<20x256xf32, #tpu.memory_space<vmem>>, %arg5: memref<256x160xi32, #tpu.memory_space<vmem>>) attributes {dimension_semantics = [#tpu.dimension_semantics<arbitrary>], iteration_bounds = array<i64: 20>, scalar_prefetch = 0 : i64, scratch_operands = 0 : i64, tpu.core_type = #tpu.core_type<tc>, window_params = [{pipeline_mode = #tpu.pipeline_mode<synchronous>, transform_indices = @transform_0, window_bounds = array<i64: 20, 256>}, {pipeline_mode = #tpu.pipeline_mode<synchronous>, transform_indices = @transform_1, window_bounds = array<i64: 20, 256>}, {pipeline_mode = #tpu.pipeline_mode<synchronous>, transform_indices = @transform_2, window_bounds = array<i64: 20, 256>}, {pipeline_mode = #tpu.pipeline_mode<synchronous>, transform_indices = @transform_3, window_bounds = array<i64: 20, 256>}, {transform_indices = @transform_4, window_bounds = array<i64: 256, 160>}]} {
    %iota3A = tpu.iota {dimensions = array<i32: 0>} : vector<256x256xi32>
    %iota3A_0 = tpu.iota {dimensions = array<i32: 1>} : vector<256x256xi32>
    %iota3A_1 = tpu.iota {dimensions = array<i32: 0>} : vector<256x8xi32>
    %iota3A_2 = tpu.iota {dimensions = array<i32: 1>} : vector<256x8xi32>
    %and3A = arith.constant 31 : i32
    %and3A_3 = vector.broadcast %and3A : i32 to vector<256x8xi32>
    %and3A_4 = arith.andi %iota3A_1, %and3A_3 : vector<256x8xi32>
    %shift_right_arithmetic3A = arith.constant 5 : i32
    %shift_right_arithmetic3A_5 = vector.broadcast %shift_right_arithmetic3A : i32 to vector<256x8xi32>
    %shift_right_arithmetic3A_6 = arith.shrsi %iota3A_1, %shift_right_arithmetic3A_5 : vector<256x8xi32>
    %eq3A = arith.cmpi eq, %shift_right_arithmetic3A_6, %iota3A_2 : vector<256x8xi32>
    %and3A_7 = arith.constant 15 : i32
    %and3A_8 = vector.broadcast %and3A_7 : i32 to vector<256x8xi32>
    %and3A_9 = arith.andi %and3A_4, %and3A_8 : vector<256x8xi32>
    %shift_left3A = arith.constant 1 : i32
    %shift_left3A_10 = vector.broadcast %shift_left3A : i32 to vector<256x8xi32>
    %shift_left3A_11 = arith.shli %shift_left3A_10, %and3A_9 : vector<256x8xi32>
    %lt3A = arith.constant 16 : i32
    %lt3A_12 = vector.broadcast %lt3A : i32 to vector<256x8xi32>
    %lt3A_13 = arith.cmpi slt, %and3A_4, %lt3A_12 : vector<256x8xi32>
    %and3A_14 = arith.andi %eq3A, %lt3A_13 : vector<256x8xi1>
    %jit3A = arith.constant 0 : i32
    %broadcast_in_dim3A = vector.broadcast %jit3A : i32 to vector<256x8xi32>
    %select_n3A = arith.select %and3A_14, %shift_left3A_11, %broadcast_in_dim3A : vector<256x8xi1>, vector<256x8xi32>
    %convert_element_type3A = arith.sitofp %select_n3A : vector<256x8xi32> to vector<256x8xf32>
    %ge3A = arith.constant 16 : i32
    %ge3A_15 = vector.broadcast %ge3A : i32 to vector<256x8xi32>
    %ge3A_16 = arith.cmpi sge, %and3A_4, %ge3A_15 : vector<256x8xi32>
    %and3A_17 = arith.andi %eq3A, %ge3A_16 : vector<256x8xi1>
    %jit3A_18 = arith.constant 0 : i32
    %broadcast_in_dim3A_19 = vector.broadcast %jit3A_18 : i32 to vector<256x8xi32>
    %select_n3A_20 = arith.select %and3A_17, %shift_left3A_11, %broadcast_in_dim3A_19 : vector<256x8xi1>, vector<256x8xi32>
    %convert_element_type3A_21 = arith.sitofp %select_n3A_20 : vector<256x8xi32> to vector<256x8xf32>
    %get3A = arith.index_cast %arg0 : i32 to index
    %get3A_22 = arith.constant 0 : index
    %get3A_23 = vector.load %arg1[%get3A, %get3A_22] : memref<20x256xf32, #tpu.memory_space<vmem>>, vector<1x256xf32>
    %get3A_24 = arith.index_cast %arg0 : i32 to index
    %get3A_25 = arith.constant 0 : index
    %get3A_26 = vector.load %arg2[%get3A_24, %get3A_25] : memref<20x256xf32, #tpu.memory_space<vmem>>, vector<1x256xf32>
    %get3A_27 = arith.index_cast %arg0 : i32 to index
    %get3A_28 = arith.constant 0 : index
    %get3A_29 = vector.load %arg3[%get3A_27, %get3A_28] : memref<20x256xf32, #tpu.memory_space<vmem>>, vector<1x256xf32>
    %get3A_30 = arith.index_cast %arg0 : i32 to index
    %get3A_31 = arith.constant 0 : index
    %get3A_32 = vector.load %arg4[%get3A_30, %get3A_31] : memref<20x256xf32, #tpu.memory_space<vmem>>, vector<1x256xf32>
    %sub3A = arith.subf %get3A_29, %get3A_23 : vector<1x256xf32>
    %sub3A_33 = arith.subf %get3A_32, %get3A_26 : vector<1x256xf32>
    %mul3A = arith.mulf %sub3A, %sub3A_33 : vector<1x256xf32>
    %broadcast_in_dim3A_34 = vector.shape_cast %get3A_23 : vector<1x256xf32> to vector<1x256xf32>
    %broadcast_in_dim3A_35 = vector.broadcast %broadcast_in_dim3A_34 : vector<1x256xf32> to vector<256x256xf32>
    %transpose3A = tpu.transpose %broadcast_in_dim3A_35, [1, 0] : vector<256x256xf32> -> vector<256x256xf32>
    %broadcast_in_dim3A_36 = vector.shape_cast %get3A_26 : vector<1x256xf32> to vector<1x256xf32>
    %broadcast_in_dim3A_37 = vector.broadcast %broadcast_in_dim3A_36 : vector<1x256xf32> to vector<256x256xf32>
    %transpose3A_38 = tpu.transpose %broadcast_in_dim3A_37, [1, 0] : vector<256x256xf32> -> vector<256x256xf32>
    %broadcast_in_dim3A_39 = vector.shape_cast %get3A_29 : vector<1x256xf32> to vector<1x256xf32>
    %broadcast_in_dim3A_40 = vector.broadcast %broadcast_in_dim3A_39 : vector<1x256xf32> to vector<256x256xf32>
    %transpose3A_41 = tpu.transpose %broadcast_in_dim3A_40, [1, 0] : vector<256x256xf32> -> vector<256x256xf32>
    %broadcast_in_dim3A_42 = vector.shape_cast %get3A_32 : vector<1x256xf32> to vector<1x256xf32>
    %broadcast_in_dim3A_43 = vector.broadcast %broadcast_in_dim3A_42 : vector<1x256xf32> to vector<256x256xf32>
    %transpose3A_44 = tpu.transpose %broadcast_in_dim3A_43, [1, 0] : vector<256x256xf32> -> vector<256x256xf32>
    %broadcast_in_dim3A_45 = vector.shape_cast %mul3A : vector<1x256xf32> to vector<1x256xf32>
    %broadcast_in_dim3A_46 = vector.broadcast %broadcast_in_dim3A_45 : vector<1x256xf32> to vector<256x256xf32>
    %transpose3A_47 = tpu.transpose %broadcast_in_dim3A_46, [1, 0] : vector<256x256xf32> -> vector<256x256xf32>
    %broadcast_in_dim3A_48 = arith.constant 0 : i32
    %broadcast_in_dim3A_49 = vector.broadcast %broadcast_in_dim3A_48 : i32 to vector<256x160xi32>
    %swap3A = arith.constant 0 : index
    %swap3A_50 = arith.constant 0 : index
    %swap3A_51 = vector.load %arg5[%swap3A, %swap3A_50] : memref<256x160xi32, #tpu.memory_space<vmem>>, vector<256x160xi32>
    tpu.vector_store %arg5[%swap3A, %swap3A_50], %broadcast_in_dim3A_49 {strides = array<i32>} : memref<256x160xi32, #tpu.memory_space<vmem>>, vector<256x160xi32>,
    %le3A = arith.constant 0 : i32
    %le3A_52 = arith.cmpi sle, %arg0, %le3A : i32
    %convert_element_type3A_53 = arith.extui %le3A_52 : i1 to i32
    %cond3A = arith.constant 0 : i32
    %cond3A_54 = arith.cmpi ne, %convert_element_type3A_53, %cond3A : i32
    scf.if %cond3A_54 {
      %get3A_150 = arith.constant 0 : index
      %get3A_151 = arith.constant 0 : index
      %get3A_152 = vector.load %arg1[%get3A_150, %get3A_151] : memref<20x256xf32, #tpu.memory_space<vmem>>, vector<1x256xf32>
      %get3A_153 = arith.constant 0 : index
      %get3A_154 = arith.constant 0 : index
      %get3A_155 = vector.load %arg2[%get3A_153, %get3A_154] : memref<20x256xf32, #tpu.memory_space<vmem>>, vector<1x256xf32>
      %get3A_156 = arith.constant 0 : index
      %get3A_157 = arith.constant 0 : index
      %get3A_158 = vector.load %arg3[%get3A_156, %get3A_157] : memref<20x256xf32, #tpu.memory_space<vmem>>, vector<1x256xf32>
      %get3A_159 = arith.constant 0 : index
      %get3A_160 = arith.constant 0 : index
      %get3A_161 = vector.load %arg4[%get3A_159, %get3A_160] : memref<20x256xf32, #tpu.memory_space<vmem>>, vector<1x256xf32>
      %sub3A_162 = arith.subf %get3A_158, %get3A_152 : vector<1x256xf32>
      %sub3A_163 = arith.subf %get3A_161, %get3A_155 : vector<1x256xf32>
      %mul3A_164 = arith.mulf %sub3A_162, %sub3A_163 : vector<1x256xf32>
      %max3A = vector.broadcast %get3A_152 : vector<1x256xf32> to vector<256x256xf32>
      %max3A_165 = arith.maximumf %transpose3A, %max3A : vector<256x256xf32>
      %max3A_166 = vector.broadcast %get3A_155 : vector<1x256xf32> to vector<256x256xf32>
      %max3A_167 = arith.maximumf %transpose3A_38, %max3A_166 : vector<256x256xf32>
      %min3A = vector.broadcast %get3A_158 : vector<1x256xf32> to vector<256x256xf32>
      %min3A_168 = arith.minimumf %transpose3A_41, %min3A : vector<256x256xf32>
      %min3A_169 = vector.broadcast %get3A_161 : vector<1x256xf32> to vector<256x256xf32>
      %min3A_170 = arith.minimumf %transpose3A_44, %min3A_169 : vector<256x256xf32>
      %sub3A_171 = arith.subf %min3A_168, %max3A_165 : vector<256x256xf32>
      %max3A_172 = arith.constant 0.000000e+00 : f32
      %max3A_173 = vector.broadcast %max3A_172 : f32 to vector<256x256xf32>
      %max3A_174 = arith.maximumf %sub3A_171, %max3A_173 : vector<256x256xf32>
      %sub3A_175 = arith.subf %min3A_170, %max3A_167 : vector<256x256xf32>
      %max3A_176 = arith.constant 0.000000e+00 : f32
      %max3A_177 = vector.broadcast %max3A_176 : f32 to vector<256x256xf32>
      %max3A_178 = arith.maximumf %sub3A_175, %max3A_177 : vector<256x256xf32>
      %mul3A_179 = arith.mulf %max3A_174, %max3A_178 : vector<256x256xf32>
      %add3A = vector.broadcast %mul3A_164 : vector<1x256xf32> to vector<256x256xf32>
      %add3A_180 = arith.addf %transpose3A_47, %add3A : vector<256x256xf32>
      %sub3A_181 = arith.subf %add3A_180, %mul3A_179 : vector<256x256xf32>
      %add3A_182 = arith.constant 9.99999971E-10 : f32
      %add3A_183 = vector.broadcast %add3A_182 : f32 to vector<256x256xf32>
      %add3A_184 = arith.addf %sub3A_181, %add3A_183 : vector<256x256xf32>
      %div3A = arith.divf %mul3A_179, %add3A_184 : vector<256x256xf32>
      %mul3A_185 = arith.constant 256 : i32
      %mul3A_186 = arith.muli %arg0, %mul3A_185 : i32
      %add3A_187 = vector.broadcast %mul3A_186 : i32 to vector<256x256xi32>
      %add3A_188 = arith.addi %iota3A, %add3A_187 : vector<256x256xi32>
      %add3A_189 = arith.constant 0 : i32
      %add3A_190 = vector.broadcast %add3A_189 : i32 to vector<256x256xi32>
      %add3A_191 = arith.addi %iota3A_0, %add3A_190 : vector<256x256xi32>
      %lt3A_192 = arith.cmpi slt, %add3A_188, %add3A_191 : vector<256x256xi32>
      %gt3A = arith.constant 5.000000e-01 : f32
      %gt3A_193 = vector.broadcast %gt3A : f32 to vector<256x256xf32>
      %gt3A_194 = arith.cmpf ogt, %div3A, %gt3A_193 : vector<256x256xf32>
      %and3A_195 = arith.andi %gt3A_194, %lt3A_192 : vector<256x256xi1>
      %jit3A_196 = arith.constant 1.000000e+00 : f32
      %jit3A_197 = arith.constant 0.000000e+00 : f32
      %broadcast_in_dim3A_198 = vector.broadcast %jit3A_196 : f32 to vector<256x256xf32>
      %broadcast_in_dim3A_199 = vector.broadcast %jit3A_197 : f32 to vector<256x256xf32>
      %select_n3A_200 = arith.select %and3A_195, %broadcast_in_dim3A_198, %broadcast_in_dim3A_199 : vector<256x256xi1>, vector<256x256xf32>
      %dot_general3A = arith.constant dense<0.000000e+00> : vector<256x8xf32>
      %dot_general3A_201 = tpu.matmul %select_n3A_200, %convert_element_type3A, %dot_general3A {dimension_numbers = #tpu.dot_dimension_numbers<[1], [0], [0], [1], [0, 0, 1, 1], [], []>, transpose_lhs_hint = false} : vector<256x256xf32>, vector<256x8xf32>, vector<256x8xf32> -> vector<256x8xf32>
      %dot_general3A_202 = arith.constant dense<0.000000e+00> : vector<256x8xf32>
      %dot_general3A_203 = tpu.matmul %select_n3A_200, %convert_element_type3A_21, %dot_general3A_202 {dimension_numbers = #tpu.dot_dimension_numbers<[1], [0], [0], [1], [0, 0, 1, 1], [], []>, transpose_lhs_hint = false} : vector<256x256xf32>, vector<256x8xf32>, vector<256x8xf32> -> vector<256x8xf32>
      %convert_element_type3A_204 = arith.fptosi %dot_general3A_203 : vector<256x8xf32> to vector<256x8xi32>
      %shift_left3A_205 = arith.constant 16 : i32
      %shift_left3A_206 = vector.broadcast %shift_left3A_205 : i32 to vector<256x8xi32>
      %shift_left3A_207 = arith.shli %convert_element_type3A_204, %shift_left3A_206 : vector<256x8xi32>
      %convert_element_type3A_208 = arith.fptosi %dot_general3A_201 : vector<256x8xf32> to vector<256x8xi32>
      %or3A = arith.ori %shift_left3A_207, %convert_element_type3A_208 : vector<256x8xi32>
      %swap3A_209 = arith.constant 0 : index
      %swap3A_210 = arith.constant 0 : index
      %swap3A_211 = vector.load %arg5[%swap3A_209, %swap3A_210] : memref<256x160xi32, #tpu.memory_space<vmem>>, vector<256x8xi32>
      tpu.vector_store %arg5[%swap3A_209, %swap3A_210], %or3A {strides = array<i32>} : memref<256x160xi32, #tpu.memory_space<vmem>>, vector<256x8xi32>,
    } else {
    }
    %le3A_55 = arith.constant 1 : i32
    %le3A_56 = arith.cmpi sle, %arg0, %le3A_55 : i32
    %convert_element_type3A_57 = arith.extui %le3A_56 : i1 to i32
    %cond3A_58 = arith.constant 0 : i32
    %cond3A_59 = arith.cmpi ne, %convert_element_type3A_57, %cond3A_58 : i32
    scf.if %cond3A_59 {
      %get3A_150 = arith.constant 1 : index
      %get3A_151 = arith.constant 0 : index
      %get3A_152 = vector.load %arg1[%get3A_150, %get3A_151] : memref<20x256xf32, #tpu.memory_space<vmem>>, vector<1x256xf32>
      %get3A_153 = arith.constant 1 : index
      %get3A_154 = arith.constant 0 : index
      %get3A_155 = vector.load %arg2[%get3A_153, %get3A_154] : memref<20x256xf32, #tpu.memory_space<vmem>>, vector<1x256xf32>
      %get3A_156 = arith.constant 1 : index
      %get3A_157 = arith.constant 0 : index
      %get3A_158 = vector.load %arg3[%get3A_156, %get3A_157] : memref<20x256xf32, #tpu.memory_space<vmem>>, vector<1x256xf32>
      %get3A_159 = arith.constant 1 : index
      %get3A_160 = arith.constant 0 : index
      %get3A_161 = vector.load %arg4[%get3A_159, %get3A_160] : memref<20x256xf32, #tpu.memory_space<vmem>>, vector<1x256xf32>
      %sub3A_162 = arith.subf %get3A_158, %get3A_152 : vector<1x256xf32>
      %sub3A_163 = arith.subf %get3A_161, %get3A_155 : vector<1x256xf32>
      %mul3A_164 = arith.mulf %sub3A_162, %sub3A_163 : vector<1x256xf32>
      %max3A = vector.broadcast %get3A_152 : vector<1x256xf32> to vector<256x256xf32>
      %max3A_165 = arith.maximumf %transpose3A, %max3A : vector<256x256xf32>
      %max3A_166 = vector.broadcast %get3A_155 : vector<1x256xf32> to vector<256x256xf32>
      %max3A_167 = arith.maximumf %transpose3A_38, %max3A_166 : vector<256x256xf32>
      %min3A = vector.broadcast %get3A_158 : vector<1x256xf32> to vector<256x256xf32>
      %min3A_168 = arith.minimumf %transpose3A_41, %min3A : vector<256x256xf32>
      %min3A_169 = vector.broadcast %get3A_161 : vector<1x256xf32> to vector<256x256xf32>
      %min3A_170 = arith.minimumf %transpose3A_44, %min3A_169 : vector<256x256xf32>
      %sub3A_171 = arith.subf %min3A_168, %max3A_165 : vector<256x256xf32>
      %max3A_172 = arith.constant 0.000000e+00 : f32
      %max3A_173 = vector.broadcast %max3A_172 : f32 to vector<256x256xf32>
      %max3A_174 = arith.maximumf %sub3A_171, %max3A_173 : vector<256x256xf32>
      %sub3A_175 = arith.subf %min3A_170, %max3A_167 : vector<256x256xf32>
      %max3A_176 = arith.constant 0.000000e+00 : f32
      %max3A_177 = vector.broadcast %max3A_176 : f32 to vector<256x256xf32>
      %max3A_178 = arith.maximumf %sub3A_175, %max3A_177 : vector<256x256xf32>
      %mul3A_179 = arith.mulf %max3A_174, %max3A_178 : vector<256x256xf32>
      %add3A = vector.broadcast %mul3A_164 : vector<1x256xf32> to vector<256x256xf32>
      %add3A_180 = arith.addf %transpose3A_47, %add3A : vector<256x256xf32>
      %sub3A_181 = arith.subf %add3A_180, %mul3A_179 : vector<256x256xf32>
      %add3A_182 = arith.constant 9.99999971E-10 : f32
      %add3A_183 = vector.broadcast %add3A_182 : f32 to vector<256x256xf32>
      %add3A_184 = arith.addf %sub3A_181, %add3A_183 : vector<256x256xf32>
      %div3A = arith.divf %mul3A_179, %add3A_184 : vector<256x256xf32>
      %mul3A_185 = arith.constant 256 : i32
      %mul3A_186 = arith.muli %arg0, %mul3A_185 : i32
      %add3A_187 = vector.broadcast %mul3A_186 : i32 to vector<256x256xi32>
      %add3A_188 = arith.addi %iota3A, %add3A_187 : vector<256x256xi32>
      %add3A_189 = arith.constant 256 : i32
      %add3A_190 = vector.broadcast %add3A_189 : i32 to vector<256x256xi32>
      %add3A_191 = arith.addi %iota3A_0, %add3A_190 : vector<256x256xi32>
      %lt3A_192 = arith.cmpi slt, %add3A_188, %add3A_191 : vector<256x256xi32>
      %gt3A = arith.constant 5.000000e-01 : f32
      %gt3A_193 = vector.broadcast %gt3A : f32 to vector<256x256xf32>
      %gt3A_194 = arith.cmpf ogt, %div3A, %gt3A_193 : vector<256x256xf32>
      %and3A_195 = arith.andi %gt3A_194, %lt3A_192 : vector<256x256xi1>
      %jit3A_196 = arith.constant 1.000000e+00 : f32
      %jit3A_197 = arith.constant 0.000000e+00 : f32
      %broadcast_in_dim3A_198 = vector.broadcast %jit3A_196 : f32 to vector<256x256xf32>
      %broadcast_in_dim3A_199 = vector.broadcast %jit3A_197 : f32 to vector<256x256xf32>
      %select_n3A_200 = arith.select %and3A_195, %broadcast_in_dim3A_198, %broadcast_in_dim3A_199 : vector<256x256xi1>, vector<256x256xf32>
      %dot_general3A = arith.constant dense<0.000000e+00> : vector<256x8xf32>
      %dot_general3A_201 = tpu.matmul %select_n3A_200, %convert_element_type3A, %dot_general3A {dimension_numbers = #tpu.dot_dimension_numbers<[1], [0], [0], [1], [0, 0, 1, 1], [], []>, transpose_lhs_hint = false} : vector<256x256xf32>, vector<256x8xf32>, vector<256x8xf32> -> vector<256x8xf32>
      %dot_general3A_202 = arith.constant dense<0.000000e+00> : vector<256x8xf32>
      %dot_general3A_203 = tpu.matmul %select_n3A_200, %convert_element_type3A_21, %dot_general3A_202 {dimension_numbers = #tpu.dot_dimension_numbers<[1], [0], [0], [1], [0, 0, 1, 1], [], []>, transpose_lhs_hint = false} : vector<256x256xf32>, vector<256x8xf32>, vector<256x8xf32> -> vector<256x8xf32>
      %convert_element_type3A_204 = arith.fptosi %dot_general3A_203 : vector<256x8xf32> to vector<256x8xi32>
      %shift_left3A_205 = arith.constant 16 : i32
      %shift_left3A_206 = vector.broadcast %shift_left3A_205 : i32 to vector<256x8xi32>
      %shift_left3A_207 = arith.shli %convert_element_type3A_204, %shift_left3A_206 : vector<256x8xi32>
      %convert_element_type3A_208 = arith.fptosi %dot_general3A_201 : vector<256x8xf32> to vector<256x8xi32>
      %or3A = arith.ori %shift_left3A_207, %convert_element_type3A_208 : vector<256x8xi32>
      %swap3A_209 = arith.constant 0 : index
      %swap3A_210 = arith.constant 8 : index
      %swap3A_211 = vector.load %arg5[%swap3A_209, %swap3A_210] : memref<256x160xi32, #tpu.memory_space<vmem>>, vector<256x8xi32>
      tpu.vector_store %arg5[%swap3A_209, %swap3A_210], %or3A {strides = array<i32>} : memref<256x160xi32, #tpu.memory_space<vmem>>, vector<256x8xi32>,
    } else {
    }
    %le3A_60 = arith.constant 2 : i32
    %le3A_61 = arith.cmpi sle, %arg0, %le3A_60 : i32
    %convert_element_type3A_62 = arith.extui %le3A_61 : i1 to i32
    %cond3A_63 = arith.constant 0 : i32
    %cond3A_64 = arith.cmpi ne, %convert_element_type3A_62, %cond3A_63 : i32
    scf.if %cond3A_64 {
      %get3A_150 = arith.constant 2 : index
      %get3A_151 = arith.constant 0 : index
      %get3A_152 = vector.load %arg1[%get3A_150, %get3A_151] : memref<20x256xf32, #tpu.memory_space<vmem>>, vector<1x256xf32>
      %get3A_153 = arith.constant 2 : index
      %get3A_154 = arith.constant 0 : index
      %get3A_155 = vector.load %arg2[%get3A_153, %get3A_154] : memref<20x256xf32, #tpu.memory_space<vmem>>, vector<1x256xf32>
      %get3A_156 = arith.constant 2 : index
      %get3A_157 = arith.constant 0 : index
      %get3A_158 = vector.load %arg3[%get3A_156, %get3A_157] : memref<20x256xf32, #tpu.memory_space<vmem>>, vector<1x256xf32>
      %get3A_159 = arith.constant 2 : index
      %get3A_160 = arith.constant 0 : index
      %get3A_161 = vector.load %arg4[%get3A_159, %get3A_160] : memref<20x256xf32, #tpu.memory_space<vmem>>, vector<1x256xf32>
      %sub3A_162 = arith.subf %get3A_158, %get3A_152 : vector<1x256xf32>
      %sub3A_163 = arith.subf %get3A_161, %get3A_155 : vector<1x256xf32>
      %mul3A_164 = arith.mulf %sub3A_162, %sub3A_163 : vector<1x256xf32>
      %max3A = vector.broadcast %get3A_152 : vector<1x256xf32> to vector<256x256xf32>
      %max3A_165 = arith.maximumf %transpose3A, %max3A : vector<256x256xf32>
      %max3A_166 = vector.broadcast %get3A_155 : vector<1x256xf32> to vector<256x256xf32>
      %max3A_167 = arith.maximumf %transpose3A_38, %max3A_166 : vector<256x256xf32>
      %min3A = vector.broadcast %get3A_158 : vector<1x256xf32> to vector<256x256xf32>
      %min3A_168 = arith.minimumf %transpose3A_41, %min3A : vector<256x256xf32>
      %min3A_169 = vector.broadcast %get3A_161 : vector<1x256xf32> to vector<256x256xf32>
      %min3A_170 = arith.minimumf %transpose3A_44, %min3A_169 : vector<256x256xf32>
      %sub3A_171 = arith.subf %min3A_168, %max3A_165 : vector<256x256xf32>
      %max3A_172 = arith.constant 0.000000e+00 : f32
      %max3A_173 = vector.broadcast %max3A_172 : f32 to vector<256x256xf32>
      %max3A_174 = arith.maximumf %sub3A_171, %max3A_173 : vector<256x256xf32>
      %sub3A_175 = arith.subf %min3A_170, %max3A_167 : vector<256x256xf32>
      %max3A_176 = arith.constant 0.000000e+00 : f32
      %max3A_177 = vector.broadcast %max3A_176 : f32 to vector<256x256xf32>
      %max3A_178 = arith.maximumf %sub3A_175, %max3A_177 : vector<256x256xf32>
      %mul3A_179 = arith.mulf %max3A_174, %max3A_178 : vector<256x256xf32>
      %add3A = vector.broadcast %mul3A_164 : vector<1x256xf32> to vector<256x256xf32>
      %add3A_180 = arith.addf %transpose3A_47, %add3A : vector<256x256xf32>
      %sub3A_181 = arith.subf %add3A_180, %mul3A_179 : vector<256x256xf32>
      %add3A_182 = arith.constant 9.99999971E-10 : f32
      %add3A_183 = vector.broadcast %add3A_182 : f32 to vector<256x256xf32>
      %add3A_184 = arith.addf %sub3A_181, %add3A_183 : vector<256x256xf32>
      %div3A = arith.divf %mul3A_179, %add3A_184 : vector<256x256xf32>
      %mul3A_185 = arith.constant 256 : i32
      %mul3A_186 = arith.muli %arg0, %mul3A_185 : i32
      %add3A_187 = vector.broadcast %mul3A_186 : i32 to vector<256x256xi32>
      %add3A_188 = arith.addi %iota3A, %add3A_187 : vector<256x256xi32>
      %add3A_189 = arith.constant 512 : i32
      %add3A_190 = vector.broadcast %add3A_189 : i32 to vector<256x256xi32>
      %add3A_191 = arith.addi %iota3A_0, %add3A_190 : vector<256x256xi32>
      %lt3A_192 = arith.cmpi slt, %add3A_188, %add3A_191 : vector<256x256xi32>
      %gt3A = arith.constant 5.000000e-01 : f32
      %gt3A_193 = vector.broadcast %gt3A : f32 to vector<256x256xf32>
      %gt3A_194 = arith.cmpf ogt, %div3A, %gt3A_193 : vector<256x256xf32>
      %and3A_195 = arith.andi %gt3A_194, %lt3A_192 : vector<256x256xi1>
      %jit3A_196 = arith.constant 1.000000e+00 : f32
      %jit3A_197 = arith.constant 0.000000e+00 : f32
      %broadcast_in_dim3A_198 = vector.broadcast %jit3A_196 : f32 to vector<256x256xf32>
      %broadcast_in_dim3A_199 = vector.broadcast %jit3A_197 : f32 to vector<256x256xf32>
      %select_n3A_200 = arith.select %and3A_195, %broadcast_in_dim3A_198, %broadcast_in_dim3A_199 : vector<256x256xi1>, vector<256x256xf32>
      %dot_general3A = arith.constant dense<0.000000e+00> : vector<256x8xf32>
      %dot_general3A_201 = tpu.matmul %select_n3A_200, %convert_element_type3A, %dot_general3A {dimension_numbers = #tpu.dot_dimension_numbers<[1], [0], [0], [1], [0, 0, 1, 1], [], []>, transpose_lhs_hint = false} : vector<256x256xf32>, vector<256x8xf32>, vector<256x8xf32> -> vector<256x8xf32>
      %dot_general3A_202 = arith.constant dense<0.000000e+00> : vector<256x8xf32>
      %dot_general3A_203 = tpu.matmul %select_n3A_200, %convert_element_type3A_21, %dot_general3A_202 {dimension_numbers = #tpu.dot_dimension_numbers<[1], [0], [0], [1], [0, 0, 1, 1], [], []>, transpose_lhs_hint = false} : vector<256x256xf32>, vector<256x8xf32>, vector<256x8xf32> -> vector<256x8xf32>
      %convert_element_type3A_204 = arith.fptosi %dot_general3A_203 : vector<256x8xf32> to vector<256x8xi32>
      %shift_left3A_205 = arith.constant 16 : i32
      %shift_left3A_206 = vector.broadcast %shift_left3A_205 : i32 to vector<256x8xi32>
      %shift_left3A_207 = arith.shli %convert_element_type3A_204, %shift_left3A_206 : vector<256x8xi32>
      %convert_element_type3A_208 = arith.fptosi %dot_general3A_201 : vector<256x8xf32> to vector<256x8xi32>
      %or3A = arith.ori %shift_left3A_207, %convert_element_type3A_208 : vector<256x8xi32>
      %swap3A_209 = arith.constant 0 : index
      %swap3A_210 = arith.constant 16 : index
      %swap3A_211 = vector.load %arg5[%swap3A_209, %swap3A_210] : memref<256x160xi32, #tpu.memory_space<vmem>>, vector<256x8xi32>
      tpu.vector_store %arg5[%swap3A_209, %swap3A_210], %or3A {strides = array<i32>} : memref<256x160xi32, #tpu.memory_space<vmem>>, vector<256x8xi32>,
    } else {
    }
    %le3A_65 = arith.constant 3 : i32
    %le3A_66 = arith.cmpi sle, %arg0, %le3A_65 : i32
    %convert_element_type3A_67 = arith.extui %le3A_66 : i1 to i32
    %cond3A_68 = arith.constant 0 : i32
    %cond3A_69 = arith.cmpi ne, %convert_element_type3A_67, %cond3A_68 : i32
    scf.if %cond3A_69 {
      %get3A_150 = arith.constant 3 : index
      %get3A_151 = arith.constant 0 : index
      %get3A_152 = vector.load %arg1[%get3A_150, %get3A_151] : memref<20x256xf32, #tpu.memory_space<vmem>>, vector<1x256xf32>
      %get3A_153 = arith.constant 3 : index
      %get3A_154 = arith.constant 0 : index
      %get3A_155 = vector.load %arg2[%get3A_153, %get3A_154] : memref<20x256xf32, #tpu.memory_space<vmem>>, vector<1x256xf32>
      %get3A_156 = arith.constant 3 : index
      %get3A_157 = arith.constant 0 : index
      %get3A_158 = vector.load %arg3[%get3A_156, %get3A_157] : memref<20x256xf32, #tpu.memory_space<vmem>>, vector<1x256xf32>
      %get3A_159 = arith.constant 3 : index
      %get3A_160 = arith.constant 0 : index
      %get3A_161 = vector.load %arg4[%get3A_159, %get3A_160] : memref<20x256xf32, #tpu.memory_space<vmem>>, vector<1x256xf32>
      %sub3A_162 = arith.subf %get3A_158, %get3A_152 : vector<1x256xf32>
      %sub3A_163 = arith.subf %get3A_161, %get3A_155 : vector<1x256xf32>
      %mul3A_164 = arith.mulf %sub3A_162, %sub3A_163 : vector<1x256xf32>
      %max3A = vector.broadcast %get3A_152 : vector<1x256xf32> to vector<256x256xf32>
      %max3A_165 = arith.maximumf %transpose3A, %max3A : vector<256x256xf32>
      %max3A_166 = vector.broadcast %get3A_155 : vector<1x256xf32> to vector<256x256xf32>
      %max3A_167 = arith.maximumf %transpose3A_38, %max3A_166 : vector<256x256xf32>
      %min3A = vector.broadcast %get3A_158 : vector<1x256xf32> to vector<256x256xf32>
      %min3A_168 = arith.minimumf %transpose3A_41, %min3A : vector<256x256xf32>
      %min3A_169 = vector.broadcast %get3A_161 : vector<1x256xf32> to vector<256x256xf32>
      %min3A_170 = arith.minimumf %transpose3A_44, %min3A_169 : vector<256x256xf32>
      %sub3A_171 = arith.subf %min3A_168, %max3A_165 : vector<256x256xf32>
      %max3A_172 = arith.constant 0.000000e+00 : f32
      %max3A_173 = vector.broadcast %max3A_172 : f32 to vector<256x256xf32>
      %max3A_174 = arith.maximumf %sub3A_171, %max3A_173 : vector<256x256xf32>
      %sub3A_175 = arith.subf %min3A_170, %max3A_167 : vector<256x256xf32>
      %max3A_176 = arith.constant 0.000000e+00 : f32
      %max3A_177 = vector.broadcast %max3A_176 : f32 to vector<256x256xf32>
      %max3A_178 = arith.maximumf %sub3A_175, %max3A_177 : vector<256x256xf32>
      %mul3A_179 = arith.mulf %max3A_174, %max3A_178 : vector<256x256xf32>
      %add3A = vector.broadcast %mul3A_164 : vector<1x256xf32> to vector<256x256xf32>
      %add3A_180 = arith.addf %transpose3A_47, %add3A : vector<256x256xf32>
      %sub3A_181 = arith.subf %add3A_180, %mul3A_179 : vector<256x256xf32>
      %add3A_182 = arith.constant 9.99999971E-10 : f32
      %add3A_183 = vector.broadcast %add3A_182 : f32 to vector<256x256xf32>
      %add3A_184 = arith.addf %sub3A_181, %add3A_183 : vector<256x256xf32>
      %div3A = arith.divf %mul3A_179, %add3A_184 : vector<256x256xf32>
      %mul3A_185 = arith.constant 256 : i32
      %mul3A_186 = arith.muli %arg0, %mul3A_185 : i32
      %add3A_187 = vector.broadcast %mul3A_186 : i32 to vector<256x256xi32>
      %add3A_188 = arith.addi %iota3A, %add3A_187 : vector<256x256xi32>
      %add3A_189 = arith.constant 768 : i32
      %add3A_190 = vector.broadcast %add3A_189 : i32 to vector<256x256xi32>
      %add3A_191 = arith.addi %iota3A_0, %add3A_190 : vector<256x256xi32>
      %lt3A_192 = arith.cmpi slt, %add3A_188, %add3A_191 : vector<256x256xi32>
      %gt3A = arith.constant 5.000000e-01 : f32
      %gt3A_193 = vector.broadcast %gt3A : f32 to vector<256x256xf32>
      %gt3A_194 = arith.cmpf ogt, %div3A, %gt3A_193 : vector<256x256xf32>
      %and3A_195 = arith.andi %gt3A_194, %lt3A_192 : vector<256x256xi1>
      %jit3A_196 = arith.constant 1.000000e+00 : f32
      %jit3A_197 = arith.constant 0.000000e+00 : f32
      %broadcast_in_dim3A_198 = vector.broadcast %jit3A_196 : f32 to vector<256x256xf32>
      %broadcast_in_dim3A_199 = vector.broadcast %jit3A_197 : f32 to vector<256x256xf32>
      %select_n3A_200 = arith.select %and3A_195, %broadcast_in_dim3A_198, %broadcast_in_dim3A_199 : vector<256x256xi1>, vector<256x256xf32>
      %dot_general3A = arith.constant dense<0.000000e+00> : vector<256x8xf32>
      %dot_general3A_201 = tpu.matmul %select_n3A_200, %convert_element_type3A, %dot_general3A {dimension_numbers = #tpu.dot_dimension_numbers<[1], [0], [0], [1], [0, 0, 1, 1], [], []>, transpose_lhs_hint = false} : vector<256x256xf32>, vector<256x8xf32>, vector<256x8xf32> -> vector<256x8xf32>
      %dot_general3A_202 = arith.constant dense<0.000000e+00> : vector<256x8xf32>
      %dot_general3A_203 = tpu.matmul %select_n3A_200, %convert_element_type3A_21, %dot_general3A_202 {dimension_numbers = #tpu.dot_dimension_numbers<[1], [0], [0], [1], [0, 0, 1, 1], [], []>, transpose_lhs_hint = false} : vector<256x256xf32>, vector<256x8xf32>, vector<256x8xf32> -> vector<256x8xf32>
      %convert_element_type3A_204 = arith.fptosi %dot_general3A_203 : vector<256x8xf32> to vector<256x8xi32>
      %shift_left3A_205 = arith.constant 16 : i32
      %shift_left3A_206 = vector.broadcast %shift_left3A_205 : i32 to vector<256x8xi32>
      %shift_left3A_207 = arith.shli %convert_element_type3A_204, %shift_left3A_206 : vector<256x8xi32>
      %convert_element_type3A_208 = arith.fptosi %dot_general3A_201 : vector<256x8xf32> to vector<256x8xi32>
      %or3A = arith.ori %shift_left3A_207, %convert_element_type3A_208 : vector<256x8xi32>
      %swap3A_209 = arith.constant 0 : index
      %swap3A_210 = arith.constant 24 : index
      %swap3A_211 = vector.load %arg5[%swap3A_209, %swap3A_210] : memref<256x160xi32, #tpu.memory_space<vmem>>, vector<256x8xi32>
      tpu.vector_store %arg5[%swap3A_209, %swap3A_210], %or3A {strides = array<i32>} : memref<256x160xi32, #tpu.memory_space<vmem>>, vector<256x8xi32>,
    } else {
    }
    %le3A_70 = arith.constant 4 : i32
    %le3A_71 = arith.cmpi sle, %arg0, %le3A_70 : i32
    %convert_element_type3A_72 = arith.extui %le3A_71 : i1 to i32
    %cond3A_73 = arith.constant 0 : i32
    %cond3A_74 = arith.cmpi ne, %convert_element_type3A_72, %cond3A_73 : i32
    scf.if %cond3A_74 {
      %get3A_150 = arith.constant 4 : index
      %get3A_151 = arith.constant 0 : index
      %get3A_152 = vector.load %arg1[%get3A_150, %get3A_151] : memref<20x256xf32, #tpu.memory_space<vmem>>, vector<1x256xf32>
      %get3A_153 = arith.constant 4 : index
      %get3A_154 = arith.constant 0 : index
      %get3A_155 = vector.load %arg2[%get3A_153, %get3A_154] : memref<20x256xf32, #tpu.memory_space<vmem>>, vector<1x256xf32>
      %get3A_156 = arith.constant 4 : index
      %get3A_157 = arith.constant 0 : index
      %get3A_158 = vector.load %arg3[%get3A_156, %get3A_157] : memref<20x256xf32, #tpu.memory_space<vmem>>, vector<1x256xf32>
      %get3A_159 = arith.constant 4 : index
      %get3A_160 = arith.constant 0 : index
      %get3A_161 = vector.load %arg4[%get3A_159, %get3A_160] : memref<20x256xf32, #tpu.memory_space<vmem>>, vector<1x256xf32>
      %sub3A_162 = arith.subf %get3A_158, %get3A_152 : vector<1x256xf32>
      %sub3A_163 = arith.subf %get3A_161, %get3A_155 : vector<1x256xf32>
      %mul3A_164 = arith.mulf %sub3A_162, %sub3A_163 : vector<1x256xf32>
      %max3A = vector.broadcast %get3A_152 : vector<1x256xf32> to vector<256x256xf32>
      %max3A_165 = arith.maximumf %transpose3A, %max3A : vector<256x256xf32>
      %max3A_166 = vector.broadcast %get3A_155 : vector<1x256xf32> to vector<256x256xf32>
      %max3A_167 = arith.maximumf %transpose3A_38, %max3A_166 : vector<256x256xf32>
      %min3A = vector.broadcast %get3A_158 : vector<1x256xf32> to vector<256x256xf32>
      %min3A_168 = arith.minimumf %transpose3A_41, %min3A : vector<256x256xf32>
      %min3A_169 = vector.broadcast %get3A_161 : vector<1x256xf32> to vector<256x256xf32>
      %min3A_170 = arith.minimumf %transpose3A_44, %min3A_169 : vector<256x256xf32>
      %sub3A_171 = arith.subf %min3A_168, %max3A_165 : vector<256x256xf32>
      %max3A_172 = arith.constant 0.000000e+00 : f32
      %max3A_173 = vector.broadcast %max3A_172 : f32 to vector<256x256xf32>
      %max3A_174 = arith.maximumf %sub3A_171, %max3A_173 : vector<256x256xf32>
      %sub3A_175 = arith.subf %min3A_170, %max3A_167 : vector<256x256xf32>
      %max3A_176 = arith.constant 0.000000e+00 : f32
      %max3A_177 = vector.broadcast %max3A_176 : f32 to vector<256x256xf32>
      %max3A_178 = arith.maximumf %sub3A_175, %max3A_177 : vector<256x256xf32>
      %mul3A_179 = arith.mulf %max3A_174, %max3A_178 : vector<256x256xf32>
      %add3A = vector.broadcast %mul3A_164 : vector<1x256xf32> to vector<256x256xf32>
      %add3A_180 = arith.addf %transpose3A_47, %add3A : vector<256x256xf32>
      %sub3A_181 = arith.subf %add3A_180, %mul3A_179 : vector<256x256xf32>
      %add3A_182 = arith.constant 9.99999971E-10 : f32
      %add3A_183 = vector.broadcast %add3A_182 : f32 to vector<256x256xf32>
      %add3A_184 = arith.addf %sub3A_181, %add3A_183 : vector<256x256xf32>
      %div3A = arith.divf %mul3A_179, %add3A_184 : vector<256x256xf32>
      %mul3A_185 = arith.constant 256 : i32
      %mul3A_186 = arith.muli %arg0, %mul3A_185 : i32
      %add3A_187 = vector.broadcast %mul3A_186 : i32 to vector<256x256xi32>
      %add3A_188 = arith.addi %iota3A, %add3A_187 : vector<256x256xi32>
      %add3A_189 = arith.constant 1024 : i32
      %add3A_190 = vector.broadcast %add3A_189 : i32 to vector<256x256xi32>
      %add3A_191 = arith.addi %iota3A_0, %add3A_190 : vector<256x256xi32>
      %lt3A_192 = arith.cmpi slt, %add3A_188, %add3A_191 : vector<256x256xi32>
      %gt3A = arith.constant 5.000000e-01 : f32
      %gt3A_193 = vector.broadcast %gt3A : f32 to vector<256x256xf32>
      %gt3A_194 = arith.cmpf ogt, %div3A, %gt3A_193 : vector<256x256xf32>
      %and3A_195 = arith.andi %gt3A_194, %lt3A_192 : vector<256x256xi1>
      %jit3A_196 = arith.constant 1.000000e+00 : f32
      %jit3A_197 = arith.constant 0.000000e+00 : f32
      %broadcast_in_dim3A_198 = vector.broadcast %jit3A_196 : f32 to vector<256x256xf32>
      %broadcast_in_dim3A_199 = vector.broadcast %jit3A_197 : f32 to vector<256x256xf32>
      %select_n3A_200 = arith.select %and3A_195, %broadcast_in_dim3A_198, %broadcast_in_dim3A_199 : vector<256x256xi1>, vector<256x256xf32>
      %dot_general3A = arith.constant dense<0.000000e+00> : vector<256x8xf32>
      %dot_general3A_201 = tpu.matmul %select_n3A_200, %convert_element_type3A, %dot_general3A {dimension_numbers = #tpu.dot_dimension_numbers<[1], [0], [0], [1], [0, 0, 1, 1], [], []>, transpose_lhs_hint = false} : vector<256x256xf32>, vector<256x8xf32>, vector<256x8xf32> -> vector<256x8xf32>
      %dot_general3A_202 = arith.constant dense<0.000000e+00> : vector<256x8xf32>
      %dot_general3A_203 = tpu.matmul %select_n3A_200, %convert_element_type3A_21, %dot_general3A_202 {dimension_numbers = #tpu.dot_dimension_numbers<[1], [0], [0], [1], [0, 0, 1, 1], [], []>, transpose_lhs_hint = false} : vector<256x256xf32>, vector<256x8xf32>, vector<256x8xf32> -> vector<256x8xf32>
      %convert_element_type3A_204 = arith.fptosi %dot_general3A_203 : vector<256x8xf32> to vector<256x8xi32>
      %shift_left3A_205 = arith.constant 16 : i32
      %shift_left3A_206 = vector.broadcast %shift_left3A_205 : i32 to vector<256x8xi32>
      %shift_left3A_207 = arith.shli %convert_element_type3A_204, %shift_left3A_206 : vector<256x8xi32>
      %convert_element_type3A_208 = arith.fptosi %dot_general3A_201 : vector<256x8xf32> to vector<256x8xi32>
      %or3A = arith.ori %shift_left3A_207, %convert_element_type3A_208 : vector<256x8xi32>
      %swap3A_209 = arith.constant 0 : index
      %swap3A_210 = arith.constant 32 : index
      %swap3A_211 = vector.load %arg5[%swap3A_209, %swap3A_210] : memref<256x160xi32, #tpu.memory_space<vmem>>, vector<256x8xi32>
      tpu.vector_store %arg5[%swap3A_209, %swap3A_210], %or3A {strides = array<i32>} : memref<256x160xi32, #tpu.memory_space<vmem>>, vector<256x8xi32>,
    } else {
    }
    %le3A_75 = arith.constant 5 : i32
    %le3A_76 = arith.cmpi sle, %arg0, %le3A_75 : i32
    %convert_element_type3A_77 = arith.extui %le3A_76 : i1 to i32
    %cond3A_78 = arith.constant 0 : i32
    %cond3A_79 = arith.cmpi ne, %convert_element_type3A_77, %cond3A_78 : i32
    scf.if %cond3A_79 {
      %get3A_150 = arith.constant 5 : index
      %get3A_151 = arith.constant 0 : index
      %get3A_152 = vector.load %arg1[%get3A_150, %get3A_151] : memref<20x256xf32, #tpu.memory_space<vmem>>, vector<1x256xf32>
      %get3A_153 = arith.constant 5 : index
      %get3A_154 = arith.constant 0 : index
      %get3A_155 = vector.load %arg2[%get3A_153, %get3A_154] : memref<20x256xf32, #tpu.memory_space<vmem>>, vector<1x256xf32>
      %get3A_156 = arith.constant 5 : index
      %get3A_157 = arith.constant 0 : index
      %get3A_158 = vector.load %arg3[%get3A_156, %get3A_157] : memref<20x256xf32, #tpu.memory_space<vmem>>, vector<1x256xf32>
      %get3A_159 = arith.constant 5 : index
      %get3A_160 = arith.constant 0 : index
      %get3A_161 = vector.load %arg4[%get3A_159, %get3A_160] : memref<20x256xf32, #tpu.memory_space<vmem>>, vector<1x256xf32>
      %sub3A_162 = arith.subf %get3A_158, %get3A_152 : vector<1x256xf32>
      %sub3A_163 = arith.subf %get3A_161, %get3A_155 : vector<1x256xf32>
      %mul3A_164 = arith.mulf %sub3A_162, %sub3A_163 : vector<1x256xf32>
      %max3A = vector.broadcast %get3A_152 : vector<1x256xf32> to vector<256x256xf32>
      %max3A_165 = arith.maximumf %transpose3A, %max3A : vector<256x256xf32>
      %max3A_166 = vector.broadcast %get3A_155 : vector<1x256xf32> to vector<256x256xf32>
      %max3A_167 = arith.maximumf %transpose3A_38, %max3A_166 : vector<256x256xf32>
      %min3A = vector.broadcast %get3A_158 : vector<1x256xf32> to vector<256x256xf32>
      %min3A_168 = arith.minimumf %transpose3A_41, %min3A : vector<256x256xf32>
      %min3A_169 = vector.broadcast %get3A_161 : vector<1x256xf32> to vector<256x256xf32>
      %min3A_170 = arith.minimumf %transpose3A_44, %min3A_169 : vector<256x256xf32>
      %sub3A_171 = arith.subf %min3A_168, %max3A_165 : vector<256x256xf32>
      %max3A_172 = arith.constant 0.000000e+00 : f32
      %max3A_173 = vector.broadcast %max3A_172 : f32 to vector<256x256xf32>
      %max3A_174 = arith.maximumf %sub3A_171, %max3A_173 : vector<256x256xf32>
      %sub3A_175 = arith.subf %min3A_170, %max3A_167 : vector<256x256xf32>
      %max3A_176 = arith.constant 0.000000e+00 : f32
      %max3A_177 = vector.broadcast %max3A_176 : f32 to vector<256x256xf32>
      %max3A_178 = arith.maximumf %sub3A_175, %max3A_177 : vector<256x256xf32>
      %mul3A_179 = arith.mulf %max3A_174, %max3A_178 : vector<256x256xf32>
      %add3A = vector.broadcast %mul3A_164 : vector<1x256xf32> to vector<256x256xf32>
      %add3A_180 = arith.addf %transpose3A_47, %add3A : vector<256x256xf32>
      %sub3A_181 = arith.subf %add3A_180, %mul3A_179 : vector<256x256xf32>
      %add3A_182 = arith.constant 9.99999971E-10 : f32
      %add3A_183 = vector.broadcast %add3A_182 : f32 to vector<256x256xf32>
      %add3A_184 = arith.addf %sub3A_181, %add3A_183 : vector<256x256xf32>
      %div3A = arith.divf %mul3A_179, %add3A_184 : vector<256x256xf32>
      %mul3A_185 = arith.constant 256 : i32
      %mul3A_186 = arith.muli %arg0, %mul3A_185 : i32
      %add3A_187 = vector.broadcast %mul3A_186 : i32 to vector<256x256xi32>
      %add3A_188 = arith.addi %iota3A, %add3A_187 : vector<256x256xi32>
      %add3A_189 = arith.constant 1280 : i32
      %add3A_190 = vector.broadcast %add3A_189 : i32 to vector<256x256xi32>
      %add3A_191 = arith.addi %iota3A_0, %add3A_190 : vector<256x256xi32>
      %lt3A_192 = arith.cmpi slt, %add3A_188, %add3A_191 : vector<256x256xi32>
      %gt3A = arith.constant 5.000000e-01 : f32
      %gt3A_193 = vector.broadcast %gt3A : f32 to vector<256x256xf32>
      %gt3A_194 = arith.cmpf ogt, %div3A, %gt3A_193 : vector<256x256xf32>
      %and3A_195 = arith.andi %gt3A_194, %lt3A_192 : vector<256x256xi1>
      %jit3A_196 = arith.constant 1.000000e+00 : f32
      %jit3A_197 = arith.constant 0.000000e+00 : f32
      %broadcast_in_dim3A_198 = vector.broadcast %jit3A_196 : f32 to vector<256x256xf32>
      %broadcast_in_dim3A_199 = vector.broadcast %jit3A_197 : f32 to vector<256x256xf32>
      %select_n3A_200 = arith.select %and3A_195, %broadcast_in_dim3A_198, %broadcast_in_dim3A_199 : vector<256x256xi1>, vector<256x256xf32>
      %dot_general3A = arith.constant dense<0.000000e+00> : vector<256x8xf32>
      %dot_general3A_201 = tpu.matmul %select_n3A_200, %convert_element_type3A, %dot_general3A {dimension_numbers = #tpu.dot_dimension_numbers<[1], [0], [0], [1], [0, 0, 1, 1], [], []>, transpose_lhs_hint = false} : vector<256x256xf32>, vector<256x8xf32>, vector<256x8xf32> -> vector<256x8xf32>
      %dot_general3A_202 = arith.constant dense<0.000000e+00> : vector<256x8xf32>
      %dot_general3A_203 = tpu.matmul %select_n3A_200, %convert_element_type3A_21, %dot_general3A_202 {dimension_numbers = #tpu.dot_dimension_numbers<[1], [0], [0], [1], [0, 0, 1, 1], [], []>, transpose_lhs_hint = false} : vector<256x256xf32>, vector<256x8xf32>, vector<256x8xf32> -> vector<256x8xf32>
      %convert_element_type3A_204 = arith.fptosi %dot_general3A_203 : vector<256x8xf32> to vector<256x8xi32>
      %shift_left3A_205 = arith.constant 16 : i32
      %shift_left3A_206 = vector.broadcast %shift_left3A_205 : i32 to vector<256x8xi32>
      %shift_left3A_207 = arith.shli %convert_element_type3A_204, %shift_left3A_206 : vector<256x8xi32>
      %convert_element_type3A_208 = arith.fptosi %dot_general3A_201 : vector<256x8xf32> to vector<256x8xi32>
      %or3A = arith.ori %shift_left3A_207, %convert_element_type3A_208 : vector<256x8xi32>
      %swap3A_209 = arith.constant 0 : index
      %swap3A_210 = arith.constant 40 : index
      %swap3A_211 = vector.load %arg5[%swap3A_209, %swap3A_210] : memref<256x160xi32, #tpu.memory_space<vmem>>, vector<256x8xi32>
      tpu.vector_store %arg5[%swap3A_209, %swap3A_210], %or3A {strides = array<i32>} : memref<256x160xi32, #tpu.memory_space<vmem>>, vector<256x8xi32>,
    } else {
    }
    %le3A_80 = arith.constant 6 : i32
    %le3A_81 = arith.cmpi sle, %arg0, %le3A_80 : i32
    %convert_element_type3A_82 = arith.extui %le3A_81 : i1 to i32
    %cond3A_83 = arith.constant 0 : i32
    %cond3A_84 = arith.cmpi ne, %convert_element_type3A_82, %cond3A_83 : i32
    scf.if %cond3A_84 {
      %get3A_150 = arith.constant 6 : index
      %get3A_151 = arith.constant 0 : index
      %get3A_152 = vector.load %arg1[%get3A_150, %get3A_151] : memref<20x256xf32, #tpu.memory_space<vmem>>, vector<1x256xf32>
      %get3A_153 = arith.constant 6 : index
      %get3A_154 = arith.constant 0 : index
      %get3A_155 = vector.load %arg2[%get3A_153, %get3A_154] : memref<20x256xf32, #tpu.memory_space<vmem>>, vector<1x256xf32>
      %get3A_156 = arith.constant 6 : index
      %get3A_157 = arith.constant 0 : index
      %get3A_158 = vector.load %arg3[%get3A_156, %get3A_157] : memref<20x256xf32, #tpu.memory_space<vmem>>, vector<1x256xf32>
      %get3A_159 = arith.constant 6 : index
      %get3A_160 = arith.constant 0 : index
      %get3A_161 = vector.load %arg4[%get3A_159, %get3A_160] : memref<20x256xf32, #tpu.memory_space<vmem>>, vector<1x256xf32>
      %sub3A_162 = arith.subf %get3A_158, %get3A_152 : vector<1x256xf32>
      %sub3A_163 = arith.subf %get3A_161, %get3A_155 : vector<1x256xf32>
      %mul3A_164 = arith.mulf %sub3A_162, %sub3A_163 : vector<1x256xf32>
      %max3A = vector.broadcast %get3A_152 : vector<1x256xf32> to vector<256x256xf32>
      %max3A_165 = arith.maximumf %transpose3A, %max3A : vector<256x256xf32>
      %max3A_166 = vector.broadcast %get3A_155 : vector<1x256xf32> to vector<256x256xf32>
      %max3A_167 = arith.maximumf %transpose3A_38, %max3A_166 : vector<256x256xf32>
      %min3A = vector.broadcast %get3A_158 : vector<1x256xf32> to vector<256x256xf32>
      %min3A_168 = arith.minimumf %transpose3A_41, %min3A : vector<256x256xf32>
      %min3A_169 = vector.broadcast %get3A_161 : vector<1x256xf32> to vector<256x256xf32>
      %min3A_170 = arith.minimumf %transpose3A_44, %min3A_169 : vector<256x256xf32>
      %sub3A_171 = arith.subf %min3A_168, %max3A_165 : vector<256x256xf32>
      %max3A_172 = arith.constant 0.000000e+00 : f32
      %max3A_173 = vector.broadcast %max3A_172 : f32 to vector<256x256xf32>
      %max3A_174 = arith.maximumf %sub3A_171, %max3A_173 : vector<256x256xf32>
      %sub3A_175 = arith.subf %min3A_170, %max3A_167 : vector<256x256xf32>
      %max3A_176 = arith.constant 0.000000e+00 : f32
      %max3A_177 = vector.broadcast %max3A_176 : f32 to vector<256x256xf32>
      %max3A_178 = arith.maximumf %sub3A_175, %max3A_177 : vector<256x256xf32>
      %mul3A_179 = arith.mulf %max3A_174, %max3A_178 : vector<256x256xf32>
      %add3A = vector.broadcast %mul3A_164 : vector<1x256xf32> to vector<256x256xf32>
      %add3A_180 = arith.addf %transpose3A_47, %add3A : vector<256x256xf32>
      %sub3A_181 = arith.subf %add3A_180, %mul3A_179 : vector<256x256xf32>
      %add3A_182 = arith.constant 9.99999971E-10 : f32
      %add3A_183 = vector.broadcast %add3A_182 : f32 to vector<256x256xf32>
      %add3A_184 = arith.addf %sub3A_181, %add3A_183 : vector<256x256xf32>
      %div3A = arith.divf %mul3A_179, %add3A_184 : vector<256x256xf32>
      %mul3A_185 = arith.constant 256 : i32
      %mul3A_186 = arith.muli %arg0, %mul3A_185 : i32
      %add3A_187 = vector.broadcast %mul3A_186 : i32 to vector<256x256xi32>
      %add3A_188 = arith.addi %iota3A, %add3A_187 : vector<256x256xi32>
      %add3A_189 = arith.constant 1536 : i32
      %add3A_190 = vector.broadcast %add3A_189 : i32 to vector<256x256xi32>
      %add3A_191 = arith.addi %iota3A_0, %add3A_190 : vector<256x256xi32>
      %lt3A_192 = arith.cmpi slt, %add3A_188, %add3A_191 : vector<256x256xi32>
      %gt3A = arith.constant 5.000000e-01 : f32
      %gt3A_193 = vector.broadcast %gt3A : f32 to vector<256x256xf32>
      %gt3A_194 = arith.cmpf ogt, %div3A, %gt3A_193 : vector<256x256xf32>
      %and3A_195 = arith.andi %gt3A_194, %lt3A_192 : vector<256x256xi1>
      %jit3A_196 = arith.constant 1.000000e+00 : f32
      %jit3A_197 = arith.constant 0.000000e+00 : f32
      %broadcast_in_dim3A_198 = vector.broadcast %jit3A_196 : f32 to vector<256x256xf32>
      %broadcast_in_dim3A_199 = vector.broadcast %jit3A_197 : f32 to vector<256x256xf32>
      %select_n3A_200 = arith.select %and3A_195, %broadcast_in_dim3A_198, %broadcast_in_dim3A_199 : vector<256x256xi1>, vector<256x256xf32>
      %dot_general3A = arith.constant dense<0.000000e+00> : vector<256x8xf32>
      %dot_general3A_201 = tpu.matmul %select_n3A_200, %convert_element_type3A, %dot_general3A {dimension_numbers = #tpu.dot_dimension_numbers<[1], [0], [0], [1], [0, 0, 1, 1], [], []>, transpose_lhs_hint = false} : vector<256x256xf32>, vector<256x8xf32>, vector<256x8xf32> -> vector<256x8xf32>
      %dot_general3A_202 = arith.constant dense<0.000000e+00> : vector<256x8xf32>
      %dot_general3A_203 = tpu.matmul %select_n3A_200, %convert_element_type3A_21, %dot_general3A_202 {dimension_numbers = #tpu.dot_dimension_numbers<[1], [0], [0], [1], [0, 0, 1, 1], [], []>, transpose_lhs_hint = false} : vector<256x256xf32>, vector<256x8xf32>, vector<256x8xf32> -> vector<256x8xf32>
      %convert_element_type3A_204 = arith.fptosi %dot_general3A_203 : vector<256x8xf32> to vector<256x8xi32>
      %shift_left3A_205 = arith.constant 16 : i32
      %shift_left3A_206 = vector.broadcast %shift_left3A_205 : i32 to vector<256x8xi32>
      %shift_left3A_207 = arith.shli %convert_element_type3A_204, %shift_left3A_206 : vector<256x8xi32>
      %convert_element_type3A_208 = arith.fptosi %dot_general3A_201 : vector<256x8xf32> to vector<256x8xi32>
      %or3A = arith.ori %shift_left3A_207, %convert_element_type3A_208 : vector<256x8xi32>
      %swap3A_209 = arith.constant 0 : index
      %swap3A_210 = arith.constant 48 : index
      %swap3A_211 = vector.load %arg5[%swap3A_209, %swap3A_210] : memref<256x160xi32, #tpu.memory_space<vmem>>, vector<256x8xi32>
      tpu.vector_store %arg5[%swap3A_209, %swap3A_210], %or3A {strides = array<i32>} : memref<256x160xi32, #tpu.memory_space<vmem>>, vector<256x8xi32>,
    } else {
    }
    %le3A_85 = arith.constant 7 : i32
    %le3A_86 = arith.cmpi sle, %arg0, %le3A_85 : i32
    %convert_element_type3A_87 = arith.extui %le3A_86 : i1 to i32
    %cond3A_88 = arith.constant 0 : i32
    %cond3A_89 = arith.cmpi ne, %convert_element_type3A_87, %cond3A_88 : i32
    scf.if %cond3A_89 {
      %get3A_150 = arith.constant 7 : index
      %get3A_151 = arith.constant 0 : index
      %get3A_152 = vector.load %arg1[%get3A_150, %get3A_151] : memref<20x256xf32, #tpu.memory_space<vmem>>, vector<1x256xf32>
      %get3A_153 = arith.constant 7 : index
      %get3A_154 = arith.constant 0 : index
      %get3A_155 = vector.load %arg2[%get3A_153, %get3A_154] : memref<20x256xf32, #tpu.memory_space<vmem>>, vector<1x256xf32>
      %get3A_156 = arith.constant 7 : index
      %get3A_157 = arith.constant 0 : index
      %get3A_158 = vector.load %arg3[%get3A_156, %get3A_157] : memref<20x256xf32, #tpu.memory_space<vmem>>, vector<1x256xf32>
      %get3A_159 = arith.constant 7 : index
      %get3A_160 = arith.constant 0 : index
      %get3A_161 = vector.load %arg4[%get3A_159, %get3A_160] : memref<20x256xf32, #tpu.memory_space<vmem>>, vector<1x256xf32>
      %sub3A_162 = arith.subf %get3A_158, %get3A_152 : vector<1x256xf32>
      %sub3A_163 = arith.subf %get3A_161, %get3A_155 : vector<1x256xf32>
      %mul3A_164 = arith.mulf %sub3A_162, %sub3A_163 : vector<1x256xf32>
      %max3A = vector.broadcast %get3A_152 : vector<1x256xf32> to vector<256x256xf32>
      %max3A_165 = arith.maximumf %transpose3A, %max3A : vector<256x256xf32>
      %max3A_166 = vector.broadcast %get3A_155 : vector<1x256xf32> to vector<256x256xf32>
      %max3A_167 = arith.maximumf %transpose3A_38, %max3A_166 : vector<256x256xf32>
      %min3A = vector.broadcast %get3A_158 : vector<1x256xf32> to vector<256x256xf32>
      %min3A_168 = arith.minimumf %transpose3A_41, %min3A : vector<256x256xf32>
      %min3A_169 = vector.broadcast %get3A_161 : vector<1x256xf32> to vector<256x256xf32>
      %min3A_170 = arith.minimumf %transpose3A_44, %min3A_169 : vector<256x256xf32>
      %sub3A_171 = arith.subf %min3A_168, %max3A_165 : vector<256x256xf32>
      %max3A_172 = arith.constant 0.000000e+00 : f32
      %max3A_173 = vector.broadcast %max3A_172 : f32 to vector<256x256xf32>
      %max3A_174 = arith.maximumf %sub3A_171, %max3A_173 : vector<256x256xf32>
      %sub3A_175 = arith.subf %min3A_170, %max3A_167 : vector<256x256xf32>
      %max3A_176 = arith.constant 0.000000e+00 : f32
      %max3A_177 = vector.broadcast %max3A_176 : f32 to vector<256x256xf32>
      %max3A_178 = arith.maximumf %sub3A_175, %max3A_177 : vector<256x256xf32>
      %mul3A_179 = arith.mulf %max3A_174, %max3A_178 : vector<256x256xf32>
      %add3A = vector.broadcast %mul3A_164 : vector<1x256xf32> to vector<256x256xf32>
      %add3A_180 = arith.addf %transpose3A_47, %add3A : vector<256x256xf32>
      %sub3A_181 = arith.subf %add3A_180, %mul3A_179 : vector<256x256xf32>
      %add3A_182 = arith.constant 9.99999971E-10 : f32
      %add3A_183 = vector.broadcast %add3A_182 : f32 to vector<256x256xf32>
      %add3A_184 = arith.addf %sub3A_181, %add3A_183 : vector<256x256xf32>
      %div3A = arith.divf %mul3A_179, %add3A_184 : vector<256x256xf32>
      %mul3A_185 = arith.constant 256 : i32
      %mul3A_186 = arith.muli %arg0, %mul3A_185 : i32
      %add3A_187 = vector.broadcast %mul3A_186 : i32 to vector<256x256xi32>
      %add3A_188 = arith.addi %iota3A, %add3A_187 : vector<256x256xi32>
      %add3A_189 = arith.constant 1792 : i32
      %add3A_190 = vector.broadcast %add3A_189 : i32 to vector<256x256xi32>
      %add3A_191 = arith.addi %iota3A_0, %add3A_190 : vector<256x256xi32>
      %lt3A_192 = arith.cmpi slt, %add3A_188, %add3A_191 : vector<256x256xi32>
      %gt3A = arith.constant 5.000000e-01 : f32
      %gt3A_193 = vector.broadcast %gt3A : f32 to vector<256x256xf32>
      %gt3A_194 = arith.cmpf ogt, %div3A, %gt3A_193 : vector<256x256xf32>
      %and3A_195 = arith.andi %gt3A_194, %lt3A_192 : vector<256x256xi1>
      %jit3A_196 = arith.constant 1.000000e+00 : f32
      %jit3A_197 = arith.constant 0.000000e+00 : f32
      %broadcast_in_dim3A_198 = vector.broadcast %jit3A_196 : f32 to vector<256x256xf32>
      %broadcast_in_dim3A_199 = vector.broadcast %jit3A_197 : f32 to vector<256x256xf32>
      %select_n3A_200 = arith.select %and3A_195, %broadcast_in_dim3A_198, %broadcast_in_dim3A_199 : vector<256x256xi1>, vector<256x256xf32>
      %dot_general3A = arith.constant dense<0.000000e+00> : vector<256x8xf32>
      %dot_general3A_201 = tpu.matmul %select_n3A_200, %convert_element_type3A, %dot_general3A {dimension_numbers = #tpu.dot_dimension_numbers<[1], [0], [0], [1], [0, 0, 1, 1], [], []>, transpose_lhs_hint = false} : vector<256x256xf32>, vector<256x8xf32>, vector<256x8xf32> -> vector<256x8xf32>
      %dot_general3A_202 = arith.constant dense<0.000000e+00> : vector<256x8xf32>
      %dot_general3A_203 = tpu.matmul %select_n3A_200, %convert_element_type3A_21, %dot_general3A_202 {dimension_numbers = #tpu.dot_dimension_numbers<[1], [0], [0], [1], [0, 0, 1, 1], [], []>, transpose_lhs_hint = false} : vector<256x256xf32>, vector<256x8xf32>, vector<256x8xf32> -> vector<256x8xf32>
      %convert_element_type3A_204 = arith.fptosi %dot_general3A_203 : vector<256x8xf32> to vector<256x8xi32>
      %shift_left3A_205 = arith.constant 16 : i32
      %shift_left3A_206 = vector.broadcast %shift_left3A_205 : i32 to vector<256x8xi32>
      %shift_left3A_207 = arith.shli %convert_element_type3A_204, %shift_left3A_206 : vector<256x8xi32>
      %convert_element_type3A_208 = arith.fptosi %dot_general3A_201 : vector<256x8xf32> to vector<256x8xi32>
      %or3A = arith.ori %shift_left3A_207, %convert_element_type3A_208 : vector<256x8xi32>
      %swap3A_209 = arith.constant 0 : index
      %swap3A_210 = arith.constant 56 : index
      %swap3A_211 = vector.load %arg5[%swap3A_209, %swap3A_210] : memref<256x160xi32, #tpu.memory_space<vmem>>, vector<256x8xi32>
      tpu.vector_store %arg5[%swap3A_209, %swap3A_210], %or3A {strides = array<i32>} : memref<256x160xi32, #tpu.memory_space<vmem>>, vector<256x8xi32>,
    } else {
    }
    %le3A_90 = arith.constant 8 : i32
    %le3A_91 = arith.cmpi sle, %arg0, %le3A_90 : i32
    %convert_element_type3A_92 = arith.extui %le3A_91 : i1 to i32
    %cond3A_93 = arith.constant 0 : i32
    %cond3A_94 = arith.cmpi ne, %convert_element_type3A_92, %cond3A_93 : i32
    scf.if %cond3A_94 {
      %get3A_150 = arith.constant 8 : index
      %get3A_151 = arith.constant 0 : index
      %get3A_152 = vector.load %arg1[%get3A_150, %get3A_151] : memref<20x256xf32, #tpu.memory_space<vmem>>, vector<1x256xf32>
      %get3A_153 = arith.constant 8 : index
      %get3A_154 = arith.constant 0 : index
      %get3A_155 = vector.load %arg2[%get3A_153, %get3A_154] : memref<20x256xf32, #tpu.memory_space<vmem>>, vector<1x256xf32>
      %get3A_156 = arith.constant 8 : index
      %get3A_157 = arith.constant 0 : index
      %get3A_158 = vector.load %arg3[%get3A_156, %get3A_157] : memref<20x256xf32, #tpu.memory_space<vmem>>, vector<1x256xf32>
      %get3A_159 = arith.constant 8 : index
      %get3A_160 = arith.constant 0 : index
      %get3A_161 = vector.load %arg4[%get3A_159, %get3A_160] : memref<20x256xf32, #tpu.memory_space<vmem>>, vector<1x256xf32>
      %sub3A_162 = arith.subf %get3A_158, %get3A_152 : vector<1x256xf32>
      %sub3A_163 = arith.subf %get3A_161, %get3A_155 : vector<1x256xf32>
      %mul3A_164 = arith.mulf %sub3A_162, %sub3A_163 : vector<1x256xf32>
      %max3A = vector.broadcast %get3A_152 : vector<1x256xf32> to vector<256x256xf32>
      %max3A_165 = arith.maximumf %transpose3A, %max3A : vector<256x256xf32>
      %max3A_166 = vector.broadcast %get3A_155 : vector<1x256xf32> to vector<256x256xf32>
      %max3A_167 = arith.maximumf %transpose3A_38, %max3A_166 : vector<256x256xf32>
      %min3A = vector.broadcast %get3A_158 : vector<1x256xf32> to vector<256x256xf32>
      %min3A_168 = arith.minimumf %transpose3A_41, %min3A : vector<256x256xf32>
      %min3A_169 = vector.broadcast %get3A_161 : vector<1x256xf32> to vector<256x256xf32>
      %min3A_170 = arith.minimumf %transpose3A_44, %min3A_169 : vector<256x256xf32>
      %sub3A_171 = arith.subf %min3A_168, %max3A_165 : vector<256x256xf32>
      %max3A_172 = arith.constant 0.000000e+00 : f32
      %max3A_173 = vector.broadcast %max3A_172 : f32 to vector<256x256xf32>
      %max3A_174 = arith.maximumf %sub3A_171, %max3A_173 : vector<256x256xf32>
      %sub3A_175 = arith.subf %min3A_170, %max3A_167 : vector<256x256xf32>
      %max3A_176 = arith.constant 0.000000e+00 : f32
      %max3A_177 = vector.broadcast %max3A_176 : f32 to vector<256x256xf32>
      %max3A_178 = arith.maximumf %sub3A_175, %max3A_177 : vector<256x256xf32>
      %mul3A_179 = arith.mulf %max3A_174, %max3A_178 : vector<256x256xf32>
      %add3A = vector.broadcast %mul3A_164 : vector<1x256xf32> to vector<256x256xf32>
      %add3A_180 = arith.addf %transpose3A_47, %add3A : vector<256x256xf32>
      %sub3A_181 = arith.subf %add3A_180, %mul3A_179 : vector<256x256xf32>
      %add3A_182 = arith.constant 9.99999971E-10 : f32
      %add3A_183 = vector.broadcast %add3A_182 : f32 to vector<256x256xf32>
      %add3A_184 = arith.addf %sub3A_181, %add3A_183 : vector<256x256xf32>
      %div3A = arith.divf %mul3A_179, %add3A_184 : vector<256x256xf32>
      %mul3A_185 = arith.constant 256 : i32
      %mul3A_186 = arith.muli %arg0, %mul3A_185 : i32
      %add3A_187 = vector.broadcast %mul3A_186 : i32 to vector<256x256xi32>
      %add3A_188 = arith.addi %iota3A, %add3A_187 : vector<256x256xi32>
      %add3A_189 = arith.constant 2048 : i32
      %add3A_190 = vector.broadcast %add3A_189 : i32 to vector<256x256xi32>
      %add3A_191 = arith.addi %iota3A_0, %add3A_190 : vector<256x256xi32>
      %lt3A_192 = arith.cmpi slt, %add3A_188, %add3A_191 : vector<256x256xi32>
      %gt3A = arith.constant 5.000000e-01 : f32
      %gt3A_193 = vector.broadcast %gt3A : f32 to vector<256x256xf32>
      %gt3A_194 = arith.cmpf ogt, %div3A, %gt3A_193 : vector<256x256xf32>
      %and3A_195 = arith.andi %gt3A_194, %lt3A_192 : vector<256x256xi1>
      %jit3A_196 = arith.constant 1.000000e+00 : f32
      %jit3A_197 = arith.constant 0.000000e+00 : f32
      %broadcast_in_dim3A_198 = vector.broadcast %jit3A_196 : f32 to vector<256x256xf32>
      %broadcast_in_dim3A_199 = vector.broadcast %jit3A_197 : f32 to vector<256x256xf32>
      %select_n3A_200 = arith.select %and3A_195, %broadcast_in_dim3A_198, %broadcast_in_dim3A_199 : vector<256x256xi1>, vector<256x256xf32>
      %dot_general3A = arith.constant dense<0.000000e+00> : vector<256x8xf32>
      %dot_general3A_201 = tpu.matmul %select_n3A_200, %convert_element_type3A, %dot_general3A {dimension_numbers = #tpu.dot_dimension_numbers<[1], [0], [0], [1], [0, 0, 1, 1], [], []>, transpose_lhs_hint = false} : vector<256x256xf32>, vector<256x8xf32>, vector<256x8xf32> -> vector<256x8xf32>
      %dot_general3A_202 = arith.constant dense<0.000000e+00> : vector<256x8xf32>
      %dot_general3A_203 = tpu.matmul %select_n3A_200, %convert_element_type3A_21, %dot_general3A_202 {dimension_numbers = #tpu.dot_dimension_numbers<[1], [0], [0], [1], [0, 0, 1, 1], [], []>, transpose_lhs_hint = false} : vector<256x256xf32>, vector<256x8xf32>, vector<256x8xf32> -> vector<256x8xf32>
      %convert_element_type3A_204 = arith.fptosi %dot_general3A_203 : vector<256x8xf32> to vector<256x8xi32>
      %shift_left3A_205 = arith.constant 16 : i32
      %shift_left3A_206 = vector.broadcast %shift_left3A_205 : i32 to vector<256x8xi32>
      %shift_left3A_207 = arith.shli %convert_element_type3A_204, %shift_left3A_206 : vector<256x8xi32>
      %convert_element_type3A_208 = arith.fptosi %dot_general3A_201 : vector<256x8xf32> to vector<256x8xi32>
      %or3A = arith.ori %shift_left3A_207, %convert_element_type3A_208 : vector<256x8xi32>
      %swap3A_209 = arith.constant 0 : index
      %swap3A_210 = arith.constant 64 : index
      %swap3A_211 = vector.load %arg5[%swap3A_209, %swap3A_210] : memref<256x160xi32, #tpu.memory_space<vmem>>, vector<256x8xi32>
      tpu.vector_store %arg5[%swap3A_209, %swap3A_210], %or3A {strides = array<i32>} : memref<256x160xi32, #tpu.memory_space<vmem>>, vector<256x8xi32>,
    } else {
    }
    %le3A_95 = arith.constant 9 : i32
    %le3A_96 = arith.cmpi sle, %arg0, %le3A_95 : i32
    %convert_element_type3A_97 = arith.extui %le3A_96 : i1 to i32
    %cond3A_98 = arith.constant 0 : i32
    %cond3A_99 = arith.cmpi ne, %convert_element_type3A_97, %cond3A_98 : i32
    scf.if %cond3A_99 {
      %get3A_150 = arith.constant 9 : index
      %get3A_151 = arith.constant 0 : index
      %get3A_152 = vector.load %arg1[%get3A_150, %get3A_151] : memref<20x256xf32, #tpu.memory_space<vmem>>, vector<1x256xf32>
      %get3A_153 = arith.constant 9 : index
      %get3A_154 = arith.constant 0 : index
      %get3A_155 = vector.load %arg2[%get3A_153, %get3A_154] : memref<20x256xf32, #tpu.memory_space<vmem>>, vector<1x256xf32>
      %get3A_156 = arith.constant 9 : index
      %get3A_157 = arith.constant 0 : index
      %get3A_158 = vector.load %arg3[%get3A_156, %get3A_157] : memref<20x256xf32, #tpu.memory_space<vmem>>, vector<1x256xf32>
      %get3A_159 = arith.constant 9 : index
      %get3A_160 = arith.constant 0 : index
      %get3A_161 = vector.load %arg4[%get3A_159, %get3A_160] : memref<20x256xf32, #tpu.memory_space<vmem>>, vector<1x256xf32>
      %sub3A_162 = arith.subf %get3A_158, %get3A_152 : vector<1x256xf32>
      %sub3A_163 = arith.subf %get3A_161, %get3A_155 : vector<1x256xf32>
      %mul3A_164 = arith.mulf %sub3A_162, %sub3A_163 : vector<1x256xf32>
      %max3A = vector.broadcast %get3A_152 : vector<1x256xf32> to vector<256x256xf32>
      %max3A_165 = arith.maximumf %transpose3A, %max3A : vector<256x256xf32>
      %max3A_166 = vector.broadcast %get3A_155 : vector<1x256xf32> to vector<256x256xf32>
      %max3A_167 = arith.maximumf %transpose3A_38, %max3A_166 : vector<256x256xf32>
      %min3A = vector.broadcast %get3A_158 : vector<1x256xf32> to vector<256x256xf32>
      %min3A_168 = arith.minimumf %transpose3A_41, %min3A : vector<256x256xf32>
      %min3A_169 = vector.broadcast %get3A_161 : vector<1x256xf32> to vector<256x256xf32>
      %min3A_170 = arith.minimumf %transpose3A_44, %min3A_169 : vector<256x256xf32>
      %sub3A_171 = arith.subf %min3A_168, %max3A_165 : vector<256x256xf32>
      %max3A_172 = arith.constant 0.000000e+00 : f32
      %max3A_173 = vector.broadcast %max3A_172 : f32 to vector<256x256xf32>
      %max3A_174 = arith.maximumf %sub3A_171, %max3A_173 : vector<256x256xf32>
      %sub3A_175 = arith.subf %min3A_170, %max3A_167 : vector<256x256xf32>
      %max3A_176 = arith.constant 0.000000e+00 : f32
      %max3A_177 = vector.broadcast %max3A_176 : f32 to vector<256x256xf32>
      %max3A_178 = arith.maximumf %sub3A_175, %max3A_177 : vector<256x256xf32>
      %mul3A_179 = arith.mulf %max3A_174, %max3A_178 : vector<256x256xf32>
      %add3A = vector.broadcast %mul3A_164 : vector<1x256xf32> to vector<256x256xf32>
      %add3A_180 = arith.addf %transpose3A_47, %add3A : vector<256x256xf32>
      %sub3A_181 = arith.subf %add3A_180, %mul3A_179 : vector<256x256xf32>
      %add3A_182 = arith.constant 9.99999971E-10 : f32
      %add3A_183 = vector.broadcast %add3A_182 : f32 to vector<256x256xf32>
      %add3A_184 = arith.addf %sub3A_181, %add3A_183 : vector<256x256xf32>
      %div3A = arith.divf %mul3A_179, %add3A_184 : vector<256x256xf32>
      %mul3A_185 = arith.constant 256 : i32
      %mul3A_186 = arith.muli %arg0, %mul3A_185 : i32
      %add3A_187 = vector.broadcast %mul3A_186 : i32 to vector<256x256xi32>
      %add3A_188 = arith.addi %iota3A, %add3A_187 : vector<256x256xi32>
      %add3A_189 = arith.constant 2304 : i32
      %add3A_190 = vector.broadcast %add3A_189 : i32 to vector<256x256xi32>
      %add3A_191 = arith.addi %iota3A_0, %add3A_190 : vector<256x256xi32>
      %lt3A_192 = arith.cmpi slt, %add3A_188, %add3A_191 : vector<256x256xi32>
      %gt3A = arith.constant 5.000000e-01 : f32
      %gt3A_193 = vector.broadcast %gt3A : f32 to vector<256x256xf32>
      %gt3A_194 = arith.cmpf ogt, %div3A, %gt3A_193 : vector<256x256xf32>
      %and3A_195 = arith.andi %gt3A_194, %lt3A_192 : vector<256x256xi1>
      %jit3A_196 = arith.constant 1.000000e+00 : f32
      %jit3A_197 = arith.constant 0.000000e+00 : f32
      %broadcast_in_dim3A_198 = vector.broadcast %jit3A_196 : f32 to vector<256x256xf32>
      %broadcast_in_dim3A_199 = vector.broadcast %jit3A_197 : f32 to vector<256x256xf32>
      %select_n3A_200 = arith.select %and3A_195, %broadcast_in_dim3A_198, %broadcast_in_dim3A_199 : vector<256x256xi1>, vector<256x256xf32>
      %dot_general3A = arith.constant dense<0.000000e+00> : vector<256x8xf32>
      %dot_general3A_201 = tpu.matmul %select_n3A_200, %convert_element_type3A, %dot_general3A {dimension_numbers = #tpu.dot_dimension_numbers<[1], [0], [0], [1], [0, 0, 1, 1], [], []>, transpose_lhs_hint = false} : vector<256x256xf32>, vector<256x8xf32>, vector<256x8xf32> -> vector<256x8xf32>
      %dot_general3A_202 = arith.constant dense<0.000000e+00> : vector<256x8xf32>
      %dot_general3A_203 = tpu.matmul %select_n3A_200, %convert_element_type3A_21, %dot_general3A_202 {dimension_numbers = #tpu.dot_dimension_numbers<[1], [0], [0], [1], [0, 0, 1, 1], [], []>, transpose_lhs_hint = false} : vector<256x256xf32>, vector<256x8xf32>, vector<256x8xf32> -> vector<256x8xf32>
      %convert_element_type3A_204 = arith.fptosi %dot_general3A_203 : vector<256x8xf32> to vector<256x8xi32>
      %shift_left3A_205 = arith.constant 16 : i32
      %shift_left3A_206 = vector.broadcast %shift_left3A_205 : i32 to vector<256x8xi32>
      %shift_left3A_207 = arith.shli %convert_element_type3A_204, %shift_left3A_206 : vector<256x8xi32>
      %convert_element_type3A_208 = arith.fptosi %dot_general3A_201 : vector<256x8xf32> to vector<256x8xi32>
      %or3A = arith.ori %shift_left3A_207, %convert_element_type3A_208 : vector<256x8xi32>
      %swap3A_209 = arith.constant 0 : index
      %swap3A_210 = arith.constant 72 : index
      %swap3A_211 = vector.load %arg5[%swap3A_209, %swap3A_210] : memref<256x160xi32, #tpu.memory_space<vmem>>, vector<256x8xi32>
      tpu.vector_store %arg5[%swap3A_209, %swap3A_210], %or3A {strides = array<i32>} : memref<256x160xi32, #tpu.memory_space<vmem>>, vector<256x8xi32>,
    } else {
    }
    %le3A_100 = arith.constant 10 : i32
    %le3A_101 = arith.cmpi sle, %arg0, %le3A_100 : i32
    %convert_element_type3A_102 = arith.extui %le3A_101 : i1 to i32
    %cond3A_103 = arith.constant 0 : i32
    %cond3A_104 = arith.cmpi ne, %convert_element_type3A_102, %cond3A_103 : i32
    scf.if %cond3A_104 {
      %get3A_150 = arith.constant 10 : index
      %get3A_151 = arith.constant 0 : index
      %get3A_152 = vector.load %arg1[%get3A_150, %get3A_151] : memref<20x256xf32, #tpu.memory_space<vmem>>, vector<1x256xf32>
      %get3A_153 = arith.constant 10 : index
      %get3A_154 = arith.constant 0 : index
      %get3A_155 = vector.load %arg2[%get3A_153, %get3A_154] : memref<20x256xf32, #tpu.memory_space<vmem>>, vector<1x256xf32>
      %get3A_156 = arith.constant 10 : index
      %get3A_157 = arith.constant 0 : index
      %get3A_158 = vector.load %arg3[%get3A_156, %get3A_157] : memref<20x256xf32, #tpu.memory_space<vmem>>, vector<1x256xf32>
      %get3A_159 = arith.constant 10 : index
      %get3A_160 = arith.constant 0 : index
      %get3A_161 = vector.load %arg4[%get3A_159, %get3A_160] : memref<20x256xf32, #tpu.memory_space<vmem>>, vector<1x256xf32>
      %sub3A_162 = arith.subf %get3A_158, %get3A_152 : vector<1x256xf32>
      %sub3A_163 = arith.subf %get3A_161, %get3A_155 : vector<1x256xf32>
      %mul3A_164 = arith.mulf %sub3A_162, %sub3A_163 : vector<1x256xf32>
      %max3A = vector.broadcast %get3A_152 : vector<1x256xf32> to vector<256x256xf32>
      %max3A_165 = arith.maximumf %transpose3A, %max3A : vector<256x256xf32>
      %max3A_166 = vector.broadcast %get3A_155 : vector<1x256xf32> to vector<256x256xf32>
      %max3A_167 = arith.maximumf %transpose3A_38, %max3A_166 : vector<256x256xf32>
      %min3A = vector.broadcast %get3A_158 : vector<1x256xf32> to vector<256x256xf32>
      %min3A_168 = arith.minimumf %transpose3A_41, %min3A : vector<256x256xf32>
      %min3A_169 = vector.broadcast %get3A_161 : vector<1x256xf32> to vector<256x256xf32>
      %min3A_170 = arith.minimumf %transpose3A_44, %min3A_169 : vector<256x256xf32>
      %sub3A_171 = arith.subf %min3A_168, %max3A_165 : vector<256x256xf32>
      %max3A_172 = arith.constant 0.000000e+00 : f32
      %max3A_173 = vector.broadcast %max3A_172 : f32 to vector<256x256xf32>
      %max3A_174 = arith.maximumf %sub3A_171, %max3A_173 : vector<256x256xf32>
      %sub3A_175 = arith.subf %min3A_170, %max3A_167 : vector<256x256xf32>
      %max3A_176 = arith.constant 0.000000e+00 : f32
      %max3A_177 = vector.broadcast %max3A_176 : f32 to vector<256x256xf32>
      %max3A_178 = arith.maximumf %sub3A_175, %max3A_177 : vector<256x256xf32>
      %mul3A_179 = arith.mulf %max3A_174, %max3A_178 : vector<256x256xf32>
      %add3A = vector.broadcast %mul3A_164 : vector<1x256xf32> to vector<256x256xf32>
      %add3A_180 = arith.addf %transpose3A_47, %add3A : vector<256x256xf32>
      %sub3A_181 = arith.subf %add3A_180, %mul3A_179 : vector<256x256xf32>
      %add3A_182 = arith.constant 9.99999971E-10 : f32
      %add3A_183 = vector.broadcast %add3A_182 : f32 to vector<256x256xf32>
      %add3A_184 = arith.addf %sub3A_181, %add3A_183 : vector<256x256xf32>
      %div3A = arith.divf %mul3A_179, %add3A_184 : vector<256x256xf32>
      %mul3A_185 = arith.constant 256 : i32
      %mul3A_186 = arith.muli %arg0, %mul3A_185 : i32
      %add3A_187 = vector.broadcast %mul3A_186 : i32 to vector<256x256xi32>
      %add3A_188 = arith.addi %iota3A, %add3A_187 : vector<256x256xi32>
      %add3A_189 = arith.constant 2560 : i32
      %add3A_190 = vector.broadcast %add3A_189 : i32 to vector<256x256xi32>
      %add3A_191 = arith.addi %iota3A_0, %add3A_190 : vector<256x256xi32>
      %lt3A_192 = arith.cmpi slt, %add3A_188, %add3A_191 : vector<256x256xi32>
      %gt3A = arith.constant 5.000000e-01 : f32
      %gt3A_193 = vector.broadcast %gt3A : f32 to vector<256x256xf32>
      %gt3A_194 = arith.cmpf ogt, %div3A, %gt3A_193 : vector<256x256xf32>
      %and3A_195 = arith.andi %gt3A_194, %lt3A_192 : vector<256x256xi1>
      %jit3A_196 = arith.constant 1.000000e+00 : f32
      %jit3A_197 = arith.constant 0.000000e+00 : f32
      %broadcast_in_dim3A_198 = vector.broadcast %jit3A_196 : f32 to vector<256x256xf32>
      %broadcast_in_dim3A_199 = vector.broadcast %jit3A_197 : f32 to vector<256x256xf32>
      %select_n3A_200 = arith.select %and3A_195, %broadcast_in_dim3A_198, %broadcast_in_dim3A_199 : vector<256x256xi1>, vector<256x256xf32>
      %dot_general3A = arith.constant dense<0.000000e+00> : vector<256x8xf32>
      %dot_general3A_201 = tpu.matmul %select_n3A_200, %convert_element_type3A, %dot_general3A {dimension_numbers = #tpu.dot_dimension_numbers<[1], [0], [0], [1], [0, 0, 1, 1], [], []>, transpose_lhs_hint = false} : vector<256x256xf32>, vector<256x8xf32>, vector<256x8xf32> -> vector<256x8xf32>
      %dot_general3A_202 = arith.constant dense<0.000000e+00> : vector<256x8xf32>
      %dot_general3A_203 = tpu.matmul %select_n3A_200, %convert_element_type3A_21, %dot_general3A_202 {dimension_numbers = #tpu.dot_dimension_numbers<[1], [0], [0], [1], [0, 0, 1, 1], [], []>, transpose_lhs_hint = false} : vector<256x256xf32>, vector<256x8xf32>, vector<256x8xf32> -> vector<256x8xf32>
      %convert_element_type3A_204 = arith.fptosi %dot_general3A_203 : vector<256x8xf32> to vector<256x8xi32>
      %shift_left3A_205 = arith.constant 16 : i32
      %shift_left3A_206 = vector.broadcast %shift_left3A_205 : i32 to vector<256x8xi32>
      %shift_left3A_207 = arith.shli %convert_element_type3A_204, %shift_left3A_206 : vector<256x8xi32>
      %convert_element_type3A_208 = arith.fptosi %dot_general3A_201 : vector<256x8xf32> to vector<256x8xi32>
      %or3A = arith.ori %shift_left3A_207, %convert_element_type3A_208 : vector<256x8xi32>
      %swap3A_209 = arith.constant 0 : index
      %swap3A_210 = arith.constant 80 : index
      %swap3A_211 = vector.load %arg5[%swap3A_209, %swap3A_210] : memref<256x160xi32, #tpu.memory_space<vmem>>, vector<256x8xi32>
      tpu.vector_store %arg5[%swap3A_209, %swap3A_210], %or3A {strides = array<i32>} : memref<256x160xi32, #tpu.memory_space<vmem>>, vector<256x8xi32>,
    } else {
    }
    %le3A_105 = arith.constant 11 : i32
    %le3A_106 = arith.cmpi sle, %arg0, %le3A_105 : i32
    %convert_element_type3A_107 = arith.extui %le3A_106 : i1 to i32
    %cond3A_108 = arith.constant 0 : i32
    %cond3A_109 = arith.cmpi ne, %convert_element_type3A_107, %cond3A_108 : i32
    scf.if %cond3A_109 {
      %get3A_150 = arith.constant 11 : index
      %get3A_151 = arith.constant 0 : index
      %get3A_152 = vector.load %arg1[%get3A_150, %get3A_151] : memref<20x256xf32, #tpu.memory_space<vmem>>, vector<1x256xf32>
      %get3A_153 = arith.constant 11 : index
      %get3A_154 = arith.constant 0 : index
      %get3A_155 = vector.load %arg2[%get3A_153, %get3A_154] : memref<20x256xf32, #tpu.memory_space<vmem>>, vector<1x256xf32>
      %get3A_156 = arith.constant 11 : index
      %get3A_157 = arith.constant 0 : index
      %get3A_158 = vector.load %arg3[%get3A_156, %get3A_157] : memref<20x256xf32, #tpu.memory_space<vmem>>, vector<1x256xf32>
      %get3A_159 = arith.constant 11 : index
      %get3A_160 = arith.constant 0 : index
      %get3A_161 = vector.load %arg4[%get3A_159, %get3A_160] : memref<20x256xf32, #tpu.memory_space<vmem>>, vector<1x256xf32>
      %sub3A_162 = arith.subf %get3A_158, %get3A_152 : vector<1x256xf32>
      %sub3A_163 = arith.subf %get3A_161, %get3A_155 : vector<1x256xf32>
      %mul3A_164 = arith.mulf %sub3A_162, %sub3A_163 : vector<1x256xf32>
      %max3A = vector.broadcast %get3A_152 : vector<1x256xf32> to vector<256x256xf32>
      %max3A_165 = arith.maximumf %transpose3A, %max3A : vector<256x256xf32>
      %max3A_166 = vector.broadcast %get3A_155 : vector<1x256xf32> to vector<256x256xf32>
      %max3A_167 = arith.maximumf %transpose3A_38, %max3A_166 : vector<256x256xf32>
      %min3A = vector.broadcast %get3A_158 : vector<1x256xf32> to vector<256x256xf32>
      %min3A_168 = arith.minimumf %transpose3A_41, %min3A : vector<256x256xf32>
      %min3A_169 = vector.broadcast %get3A_161 : vector<1x256xf32> to vector<256x256xf32>
      %min3A_170 = arith.minimumf %transpose3A_44, %min3A_169 : vector<256x256xf32>
      %sub3A_171 = arith.subf %min3A_168, %max3A_165 : vector<256x256xf32>
      %max3A_172 = arith.constant 0.000000e+00 : f32
      %max3A_173 = vector.broadcast %max3A_172 : f32 to vector<256x256xf32>
      %max3A_174 = arith.maximumf %sub3A_171, %max3A_173 : vector<256x256xf32>
      %sub3A_175 = arith.subf %min3A_170, %max3A_167 : vector<256x256xf32>
      %max3A_176 = arith.constant 0.000000e+00 : f32
      %max3A_177 = vector.broadcast %max3A_176 : f32 to vector<256x256xf32>
      %max3A_178 = arith.maximumf %sub3A_175, %max3A_177 : vector<256x256xf32>
      %mul3A_179 = arith.mulf %max3A_174, %max3A_178 : vector<256x256xf32>
      %add3A = vector.broadcast %mul3A_164 : vector<1x256xf32> to vector<256x256xf32>
      %add3A_180 = arith.addf %transpose3A_47, %add3A : vector<256x256xf32>
      %sub3A_181 = arith.subf %add3A_180, %mul3A_179 : vector<256x256xf32>
      %add3A_182 = arith.constant 9.99999971E-10 : f32
      %add3A_183 = vector.broadcast %add3A_182 : f32 to vector<256x256xf32>
      %add3A_184 = arith.addf %sub3A_181, %add3A_183 : vector<256x256xf32>
      %div3A = arith.divf %mul3A_179, %add3A_184 : vector<256x256xf32>
      %mul3A_185 = arith.constant 256 : i32
      %mul3A_186 = arith.muli %arg0, %mul3A_185 : i32
      %add3A_187 = vector.broadcast %mul3A_186 : i32 to vector<256x256xi32>
      %add3A_188 = arith.addi %iota3A, %add3A_187 : vector<256x256xi32>
      %add3A_189 = arith.constant 2816 : i32
      %add3A_190 = vector.broadcast %add3A_189 : i32 to vector<256x256xi32>
      %add3A_191 = arith.addi %iota3A_0, %add3A_190 : vector<256x256xi32>
      %lt3A_192 = arith.cmpi slt, %add3A_188, %add3A_191 : vector<256x256xi32>
      %gt3A = arith.constant 5.000000e-01 : f32
      %gt3A_193 = vector.broadcast %gt3A : f32 to vector<256x256xf32>
      %gt3A_194 = arith.cmpf ogt, %div3A, %gt3A_193 : vector<256x256xf32>
      %and3A_195 = arith.andi %gt3A_194, %lt3A_192 : vector<256x256xi1>
      %jit3A_196 = arith.constant 1.000000e+00 : f32
      %jit3A_197 = arith.constant 0.000000e+00 : f32
      %broadcast_in_dim3A_198 = vector.broadcast %jit3A_196 : f32 to vector<256x256xf32>
      %broadcast_in_dim3A_199 = vector.broadcast %jit3A_197 : f32 to vector<256x256xf32>
      %select_n3A_200 = arith.select %and3A_195, %broadcast_in_dim3A_198, %broadcast_in_dim3A_199 : vector<256x256xi1>, vector<256x256xf32>
      %dot_general3A = arith.constant dense<0.000000e+00> : vector<256x8xf32>
      %dot_general3A_201 = tpu.matmul %select_n3A_200, %convert_element_type3A, %dot_general3A {dimension_numbers = #tpu.dot_dimension_numbers<[1], [0], [0], [1], [0, 0, 1, 1], [], []>, transpose_lhs_hint = false} : vector<256x256xf32>, vector<256x8xf32>, vector<256x8xf32> -> vector<256x8xf32>
      %dot_general3A_202 = arith.constant dense<0.000000e+00> : vector<256x8xf32>
      %dot_general3A_203 = tpu.matmul %select_n3A_200, %convert_element_type3A_21, %dot_general3A_202 {dimension_numbers = #tpu.dot_dimension_numbers<[1], [0], [0], [1], [0, 0, 1, 1], [], []>, transpose_lhs_hint = false} : vector<256x256xf32>, vector<256x8xf32>, vector<256x8xf32> -> vector<256x8xf32>
      %convert_element_type3A_204 = arith.fptosi %dot_general3A_203 : vector<256x8xf32> to vector<256x8xi32>
      %shift_left3A_205 = arith.constant 16 : i32
      %shift_left3A_206 = vector.broadcast %shift_left3A_205 : i32 to vector<256x8xi32>
      %shift_left3A_207 = arith.shli %convert_element_type3A_204, %shift_left3A_206 : vector<256x8xi32>
      %convert_element_type3A_208 = arith.fptosi %dot_general3A_201 : vector<256x8xf32> to vector<256x8xi32>
      %or3A = arith.ori %shift_left3A_207, %convert_element_type3A_208 : vector<256x8xi32>
      %swap3A_209 = arith.constant 0 : index
      %swap3A_210 = arith.constant 88 : index
      %swap3A_211 = vector.load %arg5[%swap3A_209, %swap3A_210] : memref<256x160xi32, #tpu.memory_space<vmem>>, vector<256x8xi32>
      tpu.vector_store %arg5[%swap3A_209, %swap3A_210], %or3A {strides = array<i32>} : memref<256x160xi32, #tpu.memory_space<vmem>>, vector<256x8xi32>,
    } else {
    }
    %le3A_110 = arith.constant 12 : i32
    %le3A_111 = arith.cmpi sle, %arg0, %le3A_110 : i32
    %convert_element_type3A_112 = arith.extui %le3A_111 : i1 to i32
    %cond3A_113 = arith.constant 0 : i32
    %cond3A_114 = arith.cmpi ne, %convert_element_type3A_112, %cond3A_113 : i32
    scf.if %cond3A_114 {
      %get3A_150 = arith.constant 12 : index
      %get3A_151 = arith.constant 0 : index
      %get3A_152 = vector.load %arg1[%get3A_150, %get3A_151] : memref<20x256xf32, #tpu.memory_space<vmem>>, vector<1x256xf32>
      %get3A_153 = arith.constant 12 : index
      %get3A_154 = arith.constant 0 : index
      %get3A_155 = vector.load %arg2[%get3A_153, %get3A_154] : memref<20x256xf32, #tpu.memory_space<vmem>>, vector<1x256xf32>
      %get3A_156 = arith.constant 12 : index
      %get3A_157 = arith.constant 0 : index
      %get3A_158 = vector.load %arg3[%get3A_156, %get3A_157] : memref<20x256xf32, #tpu.memory_space<vmem>>, vector<1x256xf32>
      %get3A_159 = arith.constant 12 : index
      %get3A_160 = arith.constant 0 : index
      %get3A_161 = vector.load %arg4[%get3A_159, %get3A_160] : memref<20x256xf32, #tpu.memory_space<vmem>>, vector<1x256xf32>
      %sub3A_162 = arith.subf %get3A_158, %get3A_152 : vector<1x256xf32>
      %sub3A_163 = arith.subf %get3A_161, %get3A_155 : vector<1x256xf32>
      %mul3A_164 = arith.mulf %sub3A_162, %sub3A_163 : vector<1x256xf32>
      %max3A = vector.broadcast %get3A_152 : vector<1x256xf32> to vector<256x256xf32>
      %max3A_165 = arith.maximumf %transpose3A, %max3A : vector<256x256xf32>
      %max3A_166 = vector.broadcast %get3A_155 : vector<1x256xf32> to vector<256x256xf32>
      %max3A_167 = arith.maximumf %transpose3A_38, %max3A_166 : vector<256x256xf32>
      %min3A = vector.broadcast %get3A_158 : vector<1x256xf32> to vector<256x256xf32>
      %min3A_168 = arith.minimumf %transpose3A_41, %min3A : vector<256x256xf32>
      %min3A_169 = vector.broadcast %get3A_161 : vector<1x256xf32> to vector<256x256xf32>
      %min3A_170 = arith.minimumf %transpose3A_44, %min3A_169 : vector<256x256xf32>
      %sub3A_171 = arith.subf %min3A_168, %max3A_165 : vector<256x256xf32>
      %max3A_172 = arith.constant 0.000000e+00 : f32
      %max3A_173 = vector.broadcast %max3A_172 : f32 to vector<256x256xf32>
      %max3A_174 = arith.maximumf %sub3A_171, %max3A_173 : vector<256x256xf32>
      %sub3A_175 = arith.subf %min3A_170, %max3A_167 : vector<256x256xf32>
      %max3A_176 = arith.constant 0.000000e+00 : f32
      %max3A_177 = vector.broadcast %max3A_176 : f32 to vector<256x256xf32>
      %max3A_178 = arith.maximumf %sub3A_175, %max3A_177 : vector<256x256xf32>
      %mul3A_179 = arith.mulf %max3A_174, %max3A_178 : vector<256x256xf32>
      %add3A = vector.broadcast %mul3A_164 : vector<1x256xf32> to vector<256x256xf32>
      %add3A_180 = arith.addf %transpose3A_47, %add3A : vector<256x256xf32>
      %sub3A_181 = arith.subf %add3A_180, %mul3A_179 : vector<256x256xf32>
      %add3A_182 = arith.constant 9.99999971E-10 : f32
      %add3A_183 = vector.broadcast %add3A_182 : f32 to vector<256x256xf32>
      %add3A_184 = arith.addf %sub3A_181, %add3A_183 : vector<256x256xf32>
      %div3A = arith.divf %mul3A_179, %add3A_184 : vector<256x256xf32>
      %mul3A_185 = arith.constant 256 : i32
      %mul3A_186 = arith.muli %arg0, %mul3A_185 : i32
      %add3A_187 = vector.broadcast %mul3A_186 : i32 to vector<256x256xi32>
      %add3A_188 = arith.addi %iota3A, %add3A_187 : vector<256x256xi32>
      %add3A_189 = arith.constant 3072 : i32
      %add3A_190 = vector.broadcast %add3A_189 : i32 to vector<256x256xi32>
      %add3A_191 = arith.addi %iota3A_0, %add3A_190 : vector<256x256xi32>
      %lt3A_192 = arith.cmpi slt, %add3A_188, %add3A_191 : vector<256x256xi32>
      %gt3A = arith.constant 5.000000e-01 : f32
      %gt3A_193 = vector.broadcast %gt3A : f32 to vector<256x256xf32>
      %gt3A_194 = arith.cmpf ogt, %div3A, %gt3A_193 : vector<256x256xf32>
      %and3A_195 = arith.andi %gt3A_194, %lt3A_192 : vector<256x256xi1>
      %jit3A_196 = arith.constant 1.000000e+00 : f32
      %jit3A_197 = arith.constant 0.000000e+00 : f32
      %broadcast_in_dim3A_198 = vector.broadcast %jit3A_196 : f32 to vector<256x256xf32>
      %broadcast_in_dim3A_199 = vector.broadcast %jit3A_197 : f32 to vector<256x256xf32>
      %select_n3A_200 = arith.select %and3A_195, %broadcast_in_dim3A_198, %broadcast_in_dim3A_199 : vector<256x256xi1>, vector<256x256xf32>
      %dot_general3A = arith.constant dense<0.000000e+00> : vector<256x8xf32>
      %dot_general3A_201 = tpu.matmul %select_n3A_200, %convert_element_type3A, %dot_general3A {dimension_numbers = #tpu.dot_dimension_numbers<[1], [0], [0], [1], [0, 0, 1, 1], [], []>, transpose_lhs_hint = false} : vector<256x256xf32>, vector<256x8xf32>, vector<256x8xf32> -> vector<256x8xf32>
      %dot_general3A_202 = arith.constant dense<0.000000e+00> : vector<256x8xf32>
      %dot_general3A_203 = tpu.matmul %select_n3A_200, %convert_element_type3A_21, %dot_general3A_202 {dimension_numbers = #tpu.dot_dimension_numbers<[1], [0], [0], [1], [0, 0, 1, 1], [], []>, transpose_lhs_hint = false} : vector<256x256xf32>, vector<256x8xf32>, vector<256x8xf32> -> vector<256x8xf32>
      %convert_element_type3A_204 = arith.fptosi %dot_general3A_203 : vector<256x8xf32> to vector<256x8xi32>
      %shift_left3A_205 = arith.constant 16 : i32
      %shift_left3A_206 = vector.broadcast %shift_left3A_205 : i32 to vector<256x8xi32>
      %shift_left3A_207 = arith.shli %convert_element_type3A_204, %shift_left3A_206 : vector<256x8xi32>
      %convert_element_type3A_208 = arith.fptosi %dot_general3A_201 : vector<256x8xf32> to vector<256x8xi32>
      %or3A = arith.ori %shift_left3A_207, %convert_element_type3A_208 : vector<256x8xi32>
      %swap3A_209 = arith.constant 0 : index
      %swap3A_210 = arith.constant 96 : index
      %swap3A_211 = vector.load %arg5[%swap3A_209, %swap3A_210] : memref<256x160xi32, #tpu.memory_space<vmem>>, vector<256x8xi32>
      tpu.vector_store %arg5[%swap3A_209, %swap3A_210], %or3A {strides = array<i32>} : memref<256x160xi32, #tpu.memory_space<vmem>>, vector<256x8xi32>,
    } else {
    }
    %le3A_115 = arith.constant 13 : i32
    %le3A_116 = arith.cmpi sle, %arg0, %le3A_115 : i32
    %convert_element_type3A_117 = arith.extui %le3A_116 : i1 to i32
    %cond3A_118 = arith.constant 0 : i32
    %cond3A_119 = arith.cmpi ne, %convert_element_type3A_117, %cond3A_118 : i32
    scf.if %cond3A_119 {
      %get3A_150 = arith.constant 13 : index
      %get3A_151 = arith.constant 0 : index
      %get3A_152 = vector.load %arg1[%get3A_150, %get3A_151] : memref<20x256xf32, #tpu.memory_space<vmem>>, vector<1x256xf32>
      %get3A_153 = arith.constant 13 : index
      %get3A_154 = arith.constant 0 : index
      %get3A_155 = vector.load %arg2[%get3A_153, %get3A_154] : memref<20x256xf32, #tpu.memory_space<vmem>>, vector<1x256xf32>
      %get3A_156 = arith.constant 13 : index
      %get3A_157 = arith.constant 0 : index
      %get3A_158 = vector.load %arg3[%get3A_156, %get3A_157] : memref<20x256xf32, #tpu.memory_space<vmem>>, vector<1x256xf32>
      %get3A_159 = arith.constant 13 : index
      %get3A_160 = arith.constant 0 : index
      %get3A_161 = vector.load %arg4[%get3A_159, %get3A_160] : memref<20x256xf32, #tpu.memory_space<vmem>>, vector<1x256xf32>
      %sub3A_162 = arith.subf %get3A_158, %get3A_152 : vector<1x256xf32>
      %sub3A_163 = arith.subf %get3A_161, %get3A_155 : vector<1x256xf32>
      %mul3A_164 = arith.mulf %sub3A_162, %sub3A_163 : vector<1x256xf32>
      %max3A = vector.broadcast %get3A_152 : vector<1x256xf32> to vector<256x256xf32>
      %max3A_165 = arith.maximumf %transpose3A, %max3A : vector<256x256xf32>
      %max3A_166 = vector.broadcast %get3A_155 : vector<1x256xf32> to vector<256x256xf32>
      %max3A_167 = arith.maximumf %transpose3A_38, %max3A_166 : vector<256x256xf32>
      %min3A = vector.broadcast %get3A_158 : vector<1x256xf32> to vector<256x256xf32>
      %min3A_168 = arith.minimumf %transpose3A_41, %min3A : vector<256x256xf32>
      %min3A_169 = vector.broadcast %get3A_161 : vector<1x256xf32> to vector<256x256xf32>
      %min3A_170 = arith.minimumf %transpose3A_44, %min3A_169 : vector<256x256xf32>
      %sub3A_171 = arith.subf %min3A_168, %max3A_165 : vector<256x256xf32>
      %max3A_172 = arith.constant 0.000000e+00 : f32
      %max3A_173 = vector.broadcast %max3A_172 : f32 to vector<256x256xf32>
      %max3A_174 = arith.maximumf %sub3A_171, %max3A_173 : vector<256x256xf32>
      %sub3A_175 = arith.subf %min3A_170, %max3A_167 : vector<256x256xf32>
      %max3A_176 = arith.constant 0.000000e+00 : f32
      %max3A_177 = vector.broadcast %max3A_176 : f32 to vector<256x256xf32>
      %max3A_178 = arith.maximumf %sub3A_175, %max3A_177 : vector<256x256xf32>
      %mul3A_179 = arith.mulf %max3A_174, %max3A_178 : vector<256x256xf32>
      %add3A = vector.broadcast %mul3A_164 : vector<1x256xf32> to vector<256x256xf32>
      %add3A_180 = arith.addf %transpose3A_47, %add3A : vector<256x256xf32>
      %sub3A_181 = arith.subf %add3A_180, %mul3A_179 : vector<256x256xf32>
      %add3A_182 = arith.constant 9.99999971E-10 : f32
      %add3A_183 = vector.broadcast %add3A_182 : f32 to vector<256x256xf32>
      %add3A_184 = arith.addf %sub3A_181, %add3A_183 : vector<256x256xf32>
      %div3A = arith.divf %mul3A_179, %add3A_184 : vector<256x256xf32>
      %mul3A_185 = arith.constant 256 : i32
      %mul3A_186 = arith.muli %arg0, %mul3A_185 : i32
      %add3A_187 = vector.broadcast %mul3A_186 : i32 to vector<256x256xi32>
      %add3A_188 = arith.addi %iota3A, %add3A_187 : vector<256x256xi32>
      %add3A_189 = arith.constant 3328 : i32
      %add3A_190 = vector.broadcast %add3A_189 : i32 to vector<256x256xi32>
      %add3A_191 = arith.addi %iota3A_0, %add3A_190 : vector<256x256xi32>
      %lt3A_192 = arith.cmpi slt, %add3A_188, %add3A_191 : vector<256x256xi32>
      %gt3A = arith.constant 5.000000e-01 : f32
      %gt3A_193 = vector.broadcast %gt3A : f32 to vector<256x256xf32>
      %gt3A_194 = arith.cmpf ogt, %div3A, %gt3A_193 : vector<256x256xf32>
      %and3A_195 = arith.andi %gt3A_194, %lt3A_192 : vector<256x256xi1>
      %jit3A_196 = arith.constant 1.000000e+00 : f32
      %jit3A_197 = arith.constant 0.000000e+00 : f32
      %broadcast_in_dim3A_198 = vector.broadcast %jit3A_196 : f32 to vector<256x256xf32>
      %broadcast_in_dim3A_199 = vector.broadcast %jit3A_197 : f32 to vector<256x256xf32>
      %select_n3A_200 = arith.select %and3A_195, %broadcast_in_dim3A_198, %broadcast_in_dim3A_199 : vector<256x256xi1>, vector<256x256xf32>
      %dot_general3A = arith.constant dense<0.000000e+00> : vector<256x8xf32>
      %dot_general3A_201 = tpu.matmul %select_n3A_200, %convert_element_type3A, %dot_general3A {dimension_numbers = #tpu.dot_dimension_numbers<[1], [0], [0], [1], [0, 0, 1, 1], [], []>, transpose_lhs_hint = false} : vector<256x256xf32>, vector<256x8xf32>, vector<256x8xf32> -> vector<256x8xf32>
      %dot_general3A_202 = arith.constant dense<0.000000e+00> : vector<256x8xf32>
      %dot_general3A_203 = tpu.matmul %select_n3A_200, %convert_element_type3A_21, %dot_general3A_202 {dimension_numbers = #tpu.dot_dimension_numbers<[1], [0], [0], [1], [0, 0, 1, 1], [], []>, transpose_lhs_hint = false} : vector<256x256xf32>, vector<256x8xf32>, vector<256x8xf32> -> vector<256x8xf32>
      %convert_element_type3A_204 = arith.fptosi %dot_general3A_203 : vector<256x8xf32> to vector<256x8xi32>
      %shift_left3A_205 = arith.constant 16 : i32
      %shift_left3A_206 = vector.broadcast %shift_left3A_205 : i32 to vector<256x8xi32>
      %shift_left3A_207 = arith.shli %convert_element_type3A_204, %shift_left3A_206 : vector<256x8xi32>
      %convert_element_type3A_208 = arith.fptosi %dot_general3A_201 : vector<256x8xf32> to vector<256x8xi32>
      %or3A = arith.ori %shift_left3A_207, %convert_element_type3A_208 : vector<256x8xi32>
      %swap3A_209 = arith.constant 0 : index
      %swap3A_210 = arith.constant 104 : index
      %swap3A_211 = vector.load %arg5[%swap3A_209, %swap3A_210] : memref<256x160xi32, #tpu.memory_space<vmem>>, vector<256x8xi32>
      tpu.vector_store %arg5[%swap3A_209, %swap3A_210], %or3A {strides = array<i32>} : memref<256x160xi32, #tpu.memory_space<vmem>>, vector<256x8xi32>,
    } else {
    }
    %le3A_120 = arith.constant 14 : i32
    %le3A_121 = arith.cmpi sle, %arg0, %le3A_120 : i32
    %convert_element_type3A_122 = arith.extui %le3A_121 : i1 to i32
    %cond3A_123 = arith.constant 0 : i32
    %cond3A_124 = arith.cmpi ne, %convert_element_type3A_122, %cond3A_123 : i32
    scf.if %cond3A_124 {
      %get3A_150 = arith.constant 14 : index
      %get3A_151 = arith.constant 0 : index
      %get3A_152 = vector.load %arg1[%get3A_150, %get3A_151] : memref<20x256xf32, #tpu.memory_space<vmem>>, vector<1x256xf32>
      %get3A_153 = arith.constant 14 : index
      %get3A_154 = arith.constant 0 : index
      %get3A_155 = vector.load %arg2[%get3A_153, %get3A_154] : memref<20x256xf32, #tpu.memory_space<vmem>>, vector<1x256xf32>
      %get3A_156 = arith.constant 14 : index
      %get3A_157 = arith.constant 0 : index
      %get3A_158 = vector.load %arg3[%get3A_156, %get3A_157] : memref<20x256xf32, #tpu.memory_space<vmem>>, vector<1x256xf32>
      %get3A_159 = arith.constant 14 : index
      %get3A_160 = arith.constant 0 : index
      %get3A_161 = vector.load %arg4[%get3A_159, %get3A_160] : memref<20x256xf32, #tpu.memory_space<vmem>>, vector<1x256xf32>
      %sub3A_162 = arith.subf %get3A_158, %get3A_152 : vector<1x256xf32>
      %sub3A_163 = arith.subf %get3A_161, %get3A_155 : vector<1x256xf32>
      %mul3A_164 = arith.mulf %sub3A_162, %sub3A_163 : vector<1x256xf32>
      %max3A = vector.broadcast %get3A_152 : vector<1x256xf32> to vector<256x256xf32>
      %max3A_165 = arith.maximumf %transpose3A, %max3A : vector<256x256xf32>
      %max3A_166 = vector.broadcast %get3A_155 : vector<1x256xf32> to vector<256x256xf32>
      %max3A_167 = arith.maximumf %transpose3A_38, %max3A_166 : vector<256x256xf32>
      %min3A = vector.broadcast %get3A_158 : vector<1x256xf32> to vector<256x256xf32>
      %min3A_168 = arith.minimumf %transpose3A_41, %min3A : vector<256x256xf32>
      %min3A_169 = vector.broadcast %get3A_161 : vector<1x256xf32> to vector<256x256xf32>
      %min3A_170 = arith.minimumf %transpose3A_44, %min3A_169 : vector<256x256xf32>
      %sub3A_171 = arith.subf %min3A_168, %max3A_165 : vector<256x256xf32>
      %max3A_172 = arith.constant 0.000000e+00 : f32
      %max3A_173 = vector.broadcast %max3A_172 : f32 to vector<256x256xf32>
      %max3A_174 = arith.maximumf %sub3A_171, %max3A_173 : vector<256x256xf32>
      %sub3A_175 = arith.subf %min3A_170, %max3A_167 : vector<256x256xf32>
      %max3A_176 = arith.constant 0.000000e+00 : f32
      %max3A_177 = vector.broadcast %max3A_176 : f32 to vector<256x256xf32>
      %max3A_178 = arith.maximumf %sub3A_175, %max3A_177 : vector<256x256xf32>
      %mul3A_179 = arith.mulf %max3A_174, %max3A_178 : vector<256x256xf32>
      %add3A = vector.broadcast %mul3A_164 : vector<1x256xf32> to vector<256x256xf32>
      %add3A_180 = arith.addf %transpose3A_47, %add3A : vector<256x256xf32>
      %sub3A_181 = arith.subf %add3A_180, %mul3A_179 : vector<256x256xf32>
      %add3A_182 = arith.constant 9.99999971E-10 : f32
      %add3A_183 = vector.broadcast %add3A_182 : f32 to vector<256x256xf32>
      %add3A_184 = arith.addf %sub3A_181, %add3A_183 : vector<256x256xf32>
      %div3A = arith.divf %mul3A_179, %add3A_184 : vector<256x256xf32>
      %mul3A_185 = arith.constant 256 : i32
      %mul3A_186 = arith.muli %arg0, %mul3A_185 : i32
      %add3A_187 = vector.broadcast %mul3A_186 : i32 to vector<256x256xi32>
      %add3A_188 = arith.addi %iota3A, %add3A_187 : vector<256x256xi32>
      %add3A_189 = arith.constant 3584 : i32
      %add3A_190 = vector.broadcast %add3A_189 : i32 to vector<256x256xi32>
      %add3A_191 = arith.addi %iota3A_0, %add3A_190 : vector<256x256xi32>
      %lt3A_192 = arith.cmpi slt, %add3A_188, %add3A_191 : vector<256x256xi32>
      %gt3A = arith.constant 5.000000e-01 : f32
      %gt3A_193 = vector.broadcast %gt3A : f32 to vector<256x256xf32>
      %gt3A_194 = arith.cmpf ogt, %div3A, %gt3A_193 : vector<256x256xf32>
      %and3A_195 = arith.andi %gt3A_194, %lt3A_192 : vector<256x256xi1>
      %jit3A_196 = arith.constant 1.000000e+00 : f32
      %jit3A_197 = arith.constant 0.000000e+00 : f32
      %broadcast_in_dim3A_198 = vector.broadcast %jit3A_196 : f32 to vector<256x256xf32>
      %broadcast_in_dim3A_199 = vector.broadcast %jit3A_197 : f32 to vector<256x256xf32>
      %select_n3A_200 = arith.select %and3A_195, %broadcast_in_dim3A_198, %broadcast_in_dim3A_199 : vector<256x256xi1>, vector<256x256xf32>
      %dot_general3A = arith.constant dense<0.000000e+00> : vector<256x8xf32>
      %dot_general3A_201 = tpu.matmul %select_n3A_200, %convert_element_type3A, %dot_general3A {dimension_numbers = #tpu.dot_dimension_numbers<[1], [0], [0], [1], [0, 0, 1, 1], [], []>, transpose_lhs_hint = false} : vector<256x256xf32>, vector<256x8xf32>, vector<256x8xf32> -> vector<256x8xf32>
      %dot_general3A_202 = arith.constant dense<0.000000e+00> : vector<256x8xf32>
      %dot_general3A_203 = tpu.matmul %select_n3A_200, %convert_element_type3A_21, %dot_general3A_202 {dimension_numbers = #tpu.dot_dimension_numbers<[1], [0], [0], [1], [0, 0, 1, 1], [], []>, transpose_lhs_hint = false} : vector<256x256xf32>, vector<256x8xf32>, vector<256x8xf32> -> vector<256x8xf32>
      %convert_element_type3A_204 = arith.fptosi %dot_general3A_203 : vector<256x8xf32> to vector<256x8xi32>
      %shift_left3A_205 = arith.constant 16 : i32
      %shift_left3A_206 = vector.broadcast %shift_left3A_205 : i32 to vector<256x8xi32>
      %shift_left3A_207 = arith.shli %convert_element_type3A_204, %shift_left3A_206 : vector<256x8xi32>
      %convert_element_type3A_208 = arith.fptosi %dot_general3A_201 : vector<256x8xf32> to vector<256x8xi32>
      %or3A = arith.ori %shift_left3A_207, %convert_element_type3A_208 : vector<256x8xi32>
      %swap3A_209 = arith.constant 0 : index
      %swap3A_210 = arith.constant 112 : index
      %swap3A_211 = vector.load %arg5[%swap3A_209, %swap3A_210] : memref<256x160xi32, #tpu.memory_space<vmem>>, vector<256x8xi32>
      tpu.vector_store %arg5[%swap3A_209, %swap3A_210], %or3A {strides = array<i32>} : memref<256x160xi32, #tpu.memory_space<vmem>>, vector<256x8xi32>,
    } else {
    }
    %le3A_125 = arith.constant 15 : i32
    %le3A_126 = arith.cmpi sle, %arg0, %le3A_125 : i32
    %convert_element_type3A_127 = arith.extui %le3A_126 : i1 to i32
    %cond3A_128 = arith.constant 0 : i32
    %cond3A_129 = arith.cmpi ne, %convert_element_type3A_127, %cond3A_128 : i32
    scf.if %cond3A_129 {
      %get3A_150 = arith.constant 15 : index
      %get3A_151 = arith.constant 0 : index
      %get3A_152 = vector.load %arg1[%get3A_150, %get3A_151] : memref<20x256xf32, #tpu.memory_space<vmem>>, vector<1x256xf32>
      %get3A_153 = arith.constant 15 : index
      %get3A_154 = arith.constant 0 : index
      %get3A_155 = vector.load %arg2[%get3A_153, %get3A_154] : memref<20x256xf32, #tpu.memory_space<vmem>>, vector<1x256xf32>
      %get3A_156 = arith.constant 15 : index
      %get3A_157 = arith.constant 0 : index
      %get3A_158 = vector.load %arg3[%get3A_156, %get3A_157] : memref<20x256xf32, #tpu.memory_space<vmem>>, vector<1x256xf32>
      %get3A_159 = arith.constant 15 : index
      %get3A_160 = arith.constant 0 : index
      %get3A_161 = vector.load %arg4[%get3A_159, %get3A_160] : memref<20x256xf32, #tpu.memory_space<vmem>>, vector<1x256xf32>
      %sub3A_162 = arith.subf %get3A_158, %get3A_152 : vector<1x256xf32>
      %sub3A_163 = arith.subf %get3A_161, %get3A_155 : vector<1x256xf32>
      %mul3A_164 = arith.mulf %sub3A_162, %sub3A_163 : vector<1x256xf32>
      %max3A = vector.broadcast %get3A_152 : vector<1x256xf32> to vector<256x256xf32>
      %max3A_165 = arith.maximumf %transpose3A, %max3A : vector<256x256xf32>
      %max3A_166 = vector.broadcast %get3A_155 : vector<1x256xf32> to vector<256x256xf32>
      %max3A_167 = arith.maximumf %transpose3A_38, %max3A_166 : vector<256x256xf32>
      %min3A = vector.broadcast %get3A_158 : vector<1x256xf32> to vector<256x256xf32>
      %min3A_168 = arith.minimumf %transpose3A_41, %min3A : vector<256x256xf32>
      %min3A_169 = vector.broadcast %get3A_161 : vector<1x256xf32> to vector<256x256xf32>
      %min3A_170 = arith.minimumf %transpose3A_44, %min3A_169 : vector<256x256xf32>
      %sub3A_171 = arith.subf %min3A_168, %max3A_165 : vector<256x256xf32>
      %max3A_172 = arith.constant 0.000000e+00 : f32
      %max3A_173 = vector.broadcast %max3A_172 : f32 to vector<256x256xf32>
      %max3A_174 = arith.maximumf %sub3A_171, %max3A_173 : vector<256x256xf32>
      %sub3A_175 = arith.subf %min3A_170, %max3A_167 : vector<256x256xf32>
      %max3A_176 = arith.constant 0.000000e+00 : f32
      %max3A_177 = vector.broadcast %max3A_176 : f32 to vector<256x256xf32>
      %max3A_178 = arith.maximumf %sub3A_175, %max3A_177 : vector<256x256xf32>
      %mul3A_179 = arith.mulf %max3A_174, %max3A_178 : vector<256x256xf32>
      %add3A = vector.broadcast %mul3A_164 : vector<1x256xf32> to vector<256x256xf32>
      %add3A_180 = arith.addf %transpose3A_47, %add3A : vector<256x256xf32>
      %sub3A_181 = arith.subf %add3A_180, %mul3A_179 : vector<256x256xf32>
      %add3A_182 = arith.constant 9.99999971E-10 : f32
      %add3A_183 = vector.broadcast %add3A_182 : f32 to vector<256x256xf32>
      %add3A_184 = arith.addf %sub3A_181, %add3A_183 : vector<256x256xf32>
      %div3A = arith.divf %mul3A_179, %add3A_184 : vector<256x256xf32>
      %mul3A_185 = arith.constant 256 : i32
      %mul3A_186 = arith.muli %arg0, %mul3A_185 : i32
      %add3A_187 = vector.broadcast %mul3A_186 : i32 to vector<256x256xi32>
      %add3A_188 = arith.addi %iota3A, %add3A_187 : vector<256x256xi32>
      %add3A_189 = arith.constant 3840 : i32
      %add3A_190 = vector.broadcast %add3A_189 : i32 to vector<256x256xi32>
      %add3A_191 = arith.addi %iota3A_0, %add3A_190 : vector<256x256xi32>
      %lt3A_192 = arith.cmpi slt, %add3A_188, %add3A_191 : vector<256x256xi32>
      %gt3A = arith.constant 5.000000e-01 : f32
      %gt3A_193 = vector.broadcast %gt3A : f32 to vector<256x256xf32>
      %gt3A_194 = arith.cmpf ogt, %div3A, %gt3A_193 : vector<256x256xf32>
      %and3A_195 = arith.andi %gt3A_194, %lt3A_192 : vector<256x256xi1>
      %jit3A_196 = arith.constant 1.000000e+00 : f32
      %jit3A_197 = arith.constant 0.000000e+00 : f32
      %broadcast_in_dim3A_198 = vector.broadcast %jit3A_196 : f32 to vector<256x256xf32>
      %broadcast_in_dim3A_199 = vector.broadcast %jit3A_197 : f32 to vector<256x256xf32>
      %select_n3A_200 = arith.select %and3A_195, %broadcast_in_dim3A_198, %broadcast_in_dim3A_199 : vector<256x256xi1>, vector<256x256xf32>
      %dot_general3A = arith.constant dense<0.000000e+00> : vector<256x8xf32>
      %dot_general3A_201 = tpu.matmul %select_n3A_200, %convert_element_type3A, %dot_general3A {dimension_numbers = #tpu.dot_dimension_numbers<[1], [0], [0], [1], [0, 0, 1, 1], [], []>, transpose_lhs_hint = false} : vector<256x256xf32>, vector<256x8xf32>, vector<256x8xf32> -> vector<256x8xf32>
      %dot_general3A_202 = arith.constant dense<0.000000e+00> : vector<256x8xf32>
      %dot_general3A_203 = tpu.matmul %select_n3A_200, %convert_element_type3A_21, %dot_general3A_202 {dimension_numbers = #tpu.dot_dimension_numbers<[1], [0], [0], [1], [0, 0, 1, 1], [], []>, transpose_lhs_hint = false} : vector<256x256xf32>, vector<256x8xf32>, vector<256x8xf32> -> vector<256x8xf32>
      %convert_element_type3A_204 = arith.fptosi %dot_general3A_203 : vector<256x8xf32> to vector<256x8xi32>
      %shift_left3A_205 = arith.constant 16 : i32
      %shift_left3A_206 = vector.broadcast %shift_left3A_205 : i32 to vector<256x8xi32>
      %shift_left3A_207 = arith.shli %convert_element_type3A_204, %shift_left3A_206 : vector<256x8xi32>
      %convert_element_type3A_208 = arith.fptosi %dot_general3A_201 : vector<256x8xf32> to vector<256x8xi32>
      %or3A = arith.ori %shift_left3A_207, %convert_element_type3A_208 : vector<256x8xi32>
      %swap3A_209 = arith.constant 0 : index
      %swap3A_210 = arith.constant 120 : index
      %swap3A_211 = vector.load %arg5[%swap3A_209, %swap3A_210] : memref<256x160xi32, #tpu.memory_space<vmem>>, vector<256x8xi32>
      tpu.vector_store %arg5[%swap3A_209, %swap3A_210], %or3A {strides = array<i32>} : memref<256x160xi32, #tpu.memory_space<vmem>>, vector<256x8xi32>,
    } else {
    }
    %le3A_130 = arith.constant 16 : i32
    %le3A_131 = arith.cmpi sle, %arg0, %le3A_130 : i32
    %convert_element_type3A_132 = arith.extui %le3A_131 : i1 to i32
    %cond3A_133 = arith.constant 0 : i32
    %cond3A_134 = arith.cmpi ne, %convert_element_type3A_132, %cond3A_133 : i32
    scf.if %cond3A_134 {
      %get3A_150 = arith.constant 16 : index
      %get3A_151 = arith.constant 0 : index
      %get3A_152 = vector.load %arg1[%get3A_150, %get3A_151] : memref<20x256xf32, #tpu.memory_space<vmem>>, vector<1x256xf32>
      %get3A_153 = arith.constant 16 : index
      %get3A_154 = arith.constant 0 : index
      %get3A_155 = vector.load %arg2[%get3A_153, %get3A_154] : memref<20x256xf32, #tpu.memory_space<vmem>>, vector<1x256xf32>
      %get3A_156 = arith.constant 16 : index
      %get3A_157 = arith.constant 0 : index
      %get3A_158 = vector.load %arg3[%get3A_156, %get3A_157] : memref<20x256xf32, #tpu.memory_space<vmem>>, vector<1x256xf32>
      %get3A_159 = arith.constant 16 : index
      %get3A_160 = arith.constant 0 : index
      %get3A_161 = vector.load %arg4[%get3A_159, %get3A_160] : memref<20x256xf32, #tpu.memory_space<vmem>>, vector<1x256xf32>
      %sub3A_162 = arith.subf %get3A_158, %get3A_152 : vector<1x256xf32>
      %sub3A_163 = arith.subf %get3A_161, %get3A_155 : vector<1x256xf32>
      %mul3A_164 = arith.mulf %sub3A_162, %sub3A_163 : vector<1x256xf32>
      %max3A = vector.broadcast %get3A_152 : vector<1x256xf32> to vector<256x256xf32>
      %max3A_165 = arith.maximumf %transpose3A, %max3A : vector<256x256xf32>
      %max3A_166 = vector.broadcast %get3A_155 : vector<1x256xf32> to vector<256x256xf32>
      %max3A_167 = arith.maximumf %transpose3A_38, %max3A_166 : vector<256x256xf32>
      %min3A = vector.broadcast %get3A_158 : vector<1x256xf32> to vector<256x256xf32>
      %min3A_168 = arith.minimumf %transpose3A_41, %min3A : vector<256x256xf32>
      %min3A_169 = vector.broadcast %get3A_161 : vector<1x256xf32> to vector<256x256xf32>
      %min3A_170 = arith.minimumf %transpose3A_44, %min3A_169 : vector<256x256xf32>
      %sub3A_171 = arith.subf %min3A_168, %max3A_165 : vector<256x256xf32>
      %max3A_172 = arith.constant 0.000000e+00 : f32
      %max3A_173 = vector.broadcast %max3A_172 : f32 to vector<256x256xf32>
      %max3A_174 = arith.maximumf %sub3A_171, %max3A_173 : vector<256x256xf32>
      %sub3A_175 = arith.subf %min3A_170, %max3A_167 : vector<256x256xf32>
      %max3A_176 = arith.constant 0.000000e+00 : f32
      %max3A_177 = vector.broadcast %max3A_176 : f32 to vector<256x256xf32>
      %max3A_178 = arith.maximumf %sub3A_175, %max3A_177 : vector<256x256xf32>
      %mul3A_179 = arith.mulf %max3A_174, %max3A_178 : vector<256x256xf32>
      %add3A = vector.broadcast %mul3A_164 : vector<1x256xf32> to vector<256x256xf32>
      %add3A_180 = arith.addf %transpose3A_47, %add3A : vector<256x256xf32>
      %sub3A_181 = arith.subf %add3A_180, %mul3A_179 : vector<256x256xf32>
      %add3A_182 = arith.constant 9.99999971E-10 : f32
      %add3A_183 = vector.broadcast %add3A_182 : f32 to vector<256x256xf32>
      %add3A_184 = arith.addf %sub3A_181, %add3A_183 : vector<256x256xf32>
      %div3A = arith.divf %mul3A_179, %add3A_184 : vector<256x256xf32>
      %mul3A_185 = arith.constant 256 : i32
      %mul3A_186 = arith.muli %arg0, %mul3A_185 : i32
      %add3A_187 = vector.broadcast %mul3A_186 : i32 to vector<256x256xi32>
      %add3A_188 = arith.addi %iota3A, %add3A_187 : vector<256x256xi32>
      %add3A_189 = arith.constant 4096 : i32
      %add3A_190 = vector.broadcast %add3A_189 : i32 to vector<256x256xi32>
      %add3A_191 = arith.addi %iota3A_0, %add3A_190 : vector<256x256xi32>
      %lt3A_192 = arith.cmpi slt, %add3A_188, %add3A_191 : vector<256x256xi32>
      %gt3A = arith.constant 5.000000e-01 : f32
      %gt3A_193 = vector.broadcast %gt3A : f32 to vector<256x256xf32>
      %gt3A_194 = arith.cmpf ogt, %div3A, %gt3A_193 : vector<256x256xf32>
      %and3A_195 = arith.andi %gt3A_194, %lt3A_192 : vector<256x256xi1>
      %jit3A_196 = arith.constant 1.000000e+00 : f32
      %jit3A_197 = arith.constant 0.000000e+00 : f32
      %broadcast_in_dim3A_198 = vector.broadcast %jit3A_196 : f32 to vector<256x256xf32>
      %broadcast_in_dim3A_199 = vector.broadcast %jit3A_197 : f32 to vector<256x256xf32>
      %select_n3A_200 = arith.select %and3A_195, %broadcast_in_dim3A_198, %broadcast_in_dim3A_199 : vector<256x256xi1>, vector<256x256xf32>
      %dot_general3A = arith.constant dense<0.000000e+00> : vector<256x8xf32>
      %dot_general3A_201 = tpu.matmul %select_n3A_200, %convert_element_type3A, %dot_general3A {dimension_numbers = #tpu.dot_dimension_numbers<[1], [0], [0], [1], [0, 0, 1, 1], [], []>, transpose_lhs_hint = false} : vector<256x256xf32>, vector<256x8xf32>, vector<256x8xf32> -> vector<256x8xf32>
      %dot_general3A_202 = arith.constant dense<0.000000e+00> : vector<256x8xf32>
      %dot_general3A_203 = tpu.matmul %select_n3A_200, %convert_element_type3A_21, %dot_general3A_202 {dimension_numbers = #tpu.dot_dimension_numbers<[1], [0], [0], [1], [0, 0, 1, 1], [], []>, transpose_lhs_hint = false} : vector<256x256xf32>, vector<256x8xf32>, vector<256x8xf32> -> vector<256x8xf32>
      %convert_element_type3A_204 = arith.fptosi %dot_general3A_203 : vector<256x8xf32> to vector<256x8xi32>
      %shift_left3A_205 = arith.constant 16 : i32
      %shift_left3A_206 = vector.broadcast %shift_left3A_205 : i32 to vector<256x8xi32>
      %shift_left3A_207 = arith.shli %convert_element_type3A_204, %shift_left3A_206 : vector<256x8xi32>
      %convert_element_type3A_208 = arith.fptosi %dot_general3A_201 : vector<256x8xf32> to vector<256x8xi32>
      %or3A = arith.ori %shift_left3A_207, %convert_element_type3A_208 : vector<256x8xi32>
      %swap3A_209 = arith.constant 0 : index
      %swap3A_210 = arith.constant 128 : index
      %swap3A_211 = vector.load %arg5[%swap3A_209, %swap3A_210] : memref<256x160xi32, #tpu.memory_space<vmem>>, vector<256x8xi32>
      tpu.vector_store %arg5[%swap3A_209, %swap3A_210], %or3A {strides = array<i32>} : memref<256x160xi32, #tpu.memory_space<vmem>>, vector<256x8xi32>,
    } else {
    }
    %le3A_135 = arith.constant 17 : i32
    %le3A_136 = arith.cmpi sle, %arg0, %le3A_135 : i32
    %convert_element_type3A_137 = arith.extui %le3A_136 : i1 to i32
    %cond3A_138 = arith.constant 0 : i32
    %cond3A_139 = arith.cmpi ne, %convert_element_type3A_137, %cond3A_138 : i32
    scf.if %cond3A_139 {
      %get3A_150 = arith.constant 17 : index
      %get3A_151 = arith.constant 0 : index
      %get3A_152 = vector.load %arg1[%get3A_150, %get3A_151] : memref<20x256xf32, #tpu.memory_space<vmem>>, vector<1x256xf32>
      %get3A_153 = arith.constant 17 : index
      %get3A_154 = arith.constant 0 : index
      %get3A_155 = vector.load %arg2[%get3A_153, %get3A_154] : memref<20x256xf32, #tpu.memory_space<vmem>>, vector<1x256xf32>
      %get3A_156 = arith.constant 17 : index
      %get3A_157 = arith.constant 0 : index
      %get3A_158 = vector.load %arg3[%get3A_156, %get3A_157] : memref<20x256xf32, #tpu.memory_space<vmem>>, vector<1x256xf32>
      %get3A_159 = arith.constant 17 : index
      %get3A_160 = arith.constant 0 : index
      %get3A_161 = vector.load %arg4[%get3A_159, %get3A_160] : memref<20x256xf32, #tpu.memory_space<vmem>>, vector<1x256xf32>
      %sub3A_162 = arith.subf %get3A_158, %get3A_152 : vector<1x256xf32>
      %sub3A_163 = arith.subf %get3A_161, %get3A_155 : vector<1x256xf32>
      %mul3A_164 = arith.mulf %sub3A_162, %sub3A_163 : vector<1x256xf32>
      %max3A = vector.broadcast %get3A_152 : vector<1x256xf32> to vector<256x256xf32>
      %max3A_165 = arith.maximumf %transpose3A, %max3A : vector<256x256xf32>
      %max3A_166 = vector.broadcast %get3A_155 : vector<1x256xf32> to vector<256x256xf32>
      %max3A_167 = arith.maximumf %transpose3A_38, %max3A_166 : vector<256x256xf32>
      %min3A = vector.broadcast %get3A_158 : vector<1x256xf32> to vector<256x256xf32>
      %min3A_168 = arith.minimumf %transpose3A_41, %min3A : vector<256x256xf32>
      %min3A_169 = vector.broadcast %get3A_161 : vector<1x256xf32> to vector<256x256xf32>
      %min3A_170 = arith.minimumf %transpose3A_44, %min3A_169 : vector<256x256xf32>
      %sub3A_171 = arith.subf %min3A_168, %max3A_165 : vector<256x256xf32>
      %max3A_172 = arith.constant 0.000000e+00 : f32
      %max3A_173 = vector.broadcast %max3A_172 : f32 to vector<256x256xf32>
      %max3A_174 = arith.maximumf %sub3A_171, %max3A_173 : vector<256x256xf32>
      %sub3A_175 = arith.subf %min3A_170, %max3A_167 : vector<256x256xf32>
      %max3A_176 = arith.constant 0.000000e+00 : f32
      %max3A_177 = vector.broadcast %max3A_176 : f32 to vector<256x256xf32>
      %max3A_178 = arith.maximumf %sub3A_175, %max3A_177 : vector<256x256xf32>
      %mul3A_179 = arith.mulf %max3A_174, %max3A_178 : vector<256x256xf32>
      %add3A = vector.broadcast %mul3A_164 : vector<1x256xf32> to vector<256x256xf32>
      %add3A_180 = arith.addf %transpose3A_47, %add3A : vector<256x256xf32>
      %sub3A_181 = arith.subf %add3A_180, %mul3A_179 : vector<256x256xf32>
      %add3A_182 = arith.constant 9.99999971E-10 : f32
      %add3A_183 = vector.broadcast %add3A_182 : f32 to vector<256x256xf32>
      %add3A_184 = arith.addf %sub3A_181, %add3A_183 : vector<256x256xf32>
      %div3A = arith.divf %mul3A_179, %add3A_184 : vector<256x256xf32>
      %mul3A_185 = arith.constant 256 : i32
      %mul3A_186 = arith.muli %arg0, %mul3A_185 : i32
      %add3A_187 = vector.broadcast %mul3A_186 : i32 to vector<256x256xi32>
      %add3A_188 = arith.addi %iota3A, %add3A_187 : vector<256x256xi32>
      %add3A_189 = arith.constant 4352 : i32
      %add3A_190 = vector.broadcast %add3A_189 : i32 to vector<256x256xi32>
      %add3A_191 = arith.addi %iota3A_0, %add3A_190 : vector<256x256xi32>
      %lt3A_192 = arith.cmpi slt, %add3A_188, %add3A_191 : vector<256x256xi32>
      %gt3A = arith.constant 5.000000e-01 : f32
      %gt3A_193 = vector.broadcast %gt3A : f32 to vector<256x256xf32>
      %gt3A_194 = arith.cmpf ogt, %div3A, %gt3A_193 : vector<256x256xf32>
      %and3A_195 = arith.andi %gt3A_194, %lt3A_192 : vector<256x256xi1>
      %jit3A_196 = arith.constant 1.000000e+00 : f32
      %jit3A_197 = arith.constant 0.000000e+00 : f32
      %broadcast_in_dim3A_198 = vector.broadcast %jit3A_196 : f32 to vector<256x256xf32>
      %broadcast_in_dim3A_199 = vector.broadcast %jit3A_197 : f32 to vector<256x256xf32>
      %select_n3A_200 = arith.select %and3A_195, %broadcast_in_dim3A_198, %broadcast_in_dim3A_199 : vector<256x256xi1>, vector<256x256xf32>
      %dot_general3A = arith.constant dense<0.000000e+00> : vector<256x8xf32>
      %dot_general3A_201 = tpu.matmul %select_n3A_200, %convert_element_type3A, %dot_general3A {dimension_numbers = #tpu.dot_dimension_numbers<[1], [0], [0], [1], [0, 0, 1, 1], [], []>, transpose_lhs_hint = false} : vector<256x256xf32>, vector<256x8xf32>, vector<256x8xf32> -> vector<256x8xf32>
      %dot_general3A_202 = arith.constant dense<0.000000e+00> : vector<256x8xf32>
      %dot_general3A_203 = tpu.matmul %select_n3A_200, %convert_element_type3A_21, %dot_general3A_202 {dimension_numbers = #tpu.dot_dimension_numbers<[1], [0], [0], [1], [0, 0, 1, 1], [], []>, transpose_lhs_hint = false} : vector<256x256xf32>, vector<256x8xf32>, vector<256x8xf32> -> vector<256x8xf32>
      %convert_element_type3A_204 = arith.fptosi %dot_general3A_203 : vector<256x8xf32> to vector<256x8xi32>
      %shift_left3A_205 = arith.constant 16 : i32
      %shift_left3A_206 = vector.broadcast %shift_left3A_205 : i32 to vector<256x8xi32>
      %shift_left3A_207 = arith.shli %convert_element_type3A_204, %shift_left3A_206 : vector<256x8xi32>
      %convert_element_type3A_208 = arith.fptosi %dot_general3A_201 : vector<256x8xf32> to vector<256x8xi32>
      %or3A = arith.ori %shift_left3A_207, %convert_element_type3A_208 : vector<256x8xi32>
      %swap3A_209 = arith.constant 0 : index
      %swap3A_210 = arith.constant 136 : index
      %swap3A_211 = vector.load %arg5[%swap3A_209, %swap3A_210] : memref<256x160xi32, #tpu.memory_space<vmem>>, vector<256x8xi32>
      tpu.vector_store %arg5[%swap3A_209, %swap3A_210], %or3A {strides = array<i32>} : memref<256x160xi32, #tpu.memory_space<vmem>>, vector<256x8xi32>,
    } else {
    }
    %le3A_140 = arith.constant 18 : i32
    %le3A_141 = arith.cmpi sle, %arg0, %le3A_140 : i32
    %convert_element_type3A_142 = arith.extui %le3A_141 : i1 to i32
    %cond3A_143 = arith.constant 0 : i32
    %cond3A_144 = arith.cmpi ne, %convert_element_type3A_142, %cond3A_143 : i32
    scf.if %cond3A_144 {
      %get3A_150 = arith.constant 18 : index
      %get3A_151 = arith.constant 0 : index
      %get3A_152 = vector.load %arg1[%get3A_150, %get3A_151] : memref<20x256xf32, #tpu.memory_space<vmem>>, vector<1x256xf32>
      %get3A_153 = arith.constant 18 : index
      %get3A_154 = arith.constant 0 : index
      %get3A_155 = vector.load %arg2[%get3A_153, %get3A_154] : memref<20x256xf32, #tpu.memory_space<vmem>>, vector<1x256xf32>
      %get3A_156 = arith.constant 18 : index
      %get3A_157 = arith.constant 0 : index
      %get3A_158 = vector.load %arg3[%get3A_156, %get3A_157] : memref<20x256xf32, #tpu.memory_space<vmem>>, vector<1x256xf32>
      %get3A_159 = arith.constant 18 : index
      %get3A_160 = arith.constant 0 : index
      %get3A_161 = vector.load %arg4[%get3A_159, %get3A_160] : memref<20x256xf32, #tpu.memory_space<vmem>>, vector<1x256xf32>
      %sub3A_162 = arith.subf %get3A_158, %get3A_152 : vector<1x256xf32>
      %sub3A_163 = arith.subf %get3A_161, %get3A_155 : vector<1x256xf32>
      %mul3A_164 = arith.mulf %sub3A_162, %sub3A_163 : vector<1x256xf32>
      %max3A = vector.broadcast %get3A_152 : vector<1x256xf32> to vector<256x256xf32>
      %max3A_165 = arith.maximumf %transpose3A, %max3A : vector<256x256xf32>
      %max3A_166 = vector.broadcast %get3A_155 : vector<1x256xf32> to vector<256x256xf32>
      %max3A_167 = arith.maximumf %transpose3A_38, %max3A_166 : vector<256x256xf32>
      %min3A = vector.broadcast %get3A_158 : vector<1x256xf32> to vector<256x256xf32>
      %min3A_168 = arith.minimumf %transpose3A_41, %min3A : vector<256x256xf32>
      %min3A_169 = vector.broadcast %get3A_161 : vector<1x256xf32> to vector<256x256xf32>
      %min3A_170 = arith.minimumf %transpose3A_44, %min3A_169 : vector<256x256xf32>
      %sub3A_171 = arith.subf %min3A_168, %max3A_165 : vector<256x256xf32>
      %max3A_172 = arith.constant 0.000000e+00 : f32
      %max3A_173 = vector.broadcast %max3A_172 : f32 to vector<256x256xf32>
      %max3A_174 = arith.maximumf %sub3A_171, %max3A_173 : vector<256x256xf32>
      %sub3A_175 = arith.subf %min3A_170, %max3A_167 : vector<256x256xf32>
      %max3A_176 = arith.constant 0.000000e+00 : f32
      %max3A_177 = vector.broadcast %max3A_176 : f32 to vector<256x256xf32>
      %max3A_178 = arith.maximumf %sub3A_175, %max3A_177 : vector<256x256xf32>
      %mul3A_179 = arith.mulf %max3A_174, %max3A_178 : vector<256x256xf32>
      %add3A = vector.broadcast %mul3A_164 : vector<1x256xf32> to vector<256x256xf32>
      %add3A_180 = arith.addf %transpose3A_47, %add3A : vector<256x256xf32>
      %sub3A_181 = arith.subf %add3A_180, %mul3A_179 : vector<256x256xf32>
      %add3A_182 = arith.constant 9.99999971E-10 : f32
      %add3A_183 = vector.broadcast %add3A_182 : f32 to vector<256x256xf32>
      %add3A_184 = arith.addf %sub3A_181, %add3A_183 : vector<256x256xf32>
      %div3A = arith.divf %mul3A_179, %add3A_184 : vector<256x256xf32>
      %mul3A_185 = arith.constant 256 : i32
      %mul3A_186 = arith.muli %arg0, %mul3A_185 : i32
      %add3A_187 = vector.broadcast %mul3A_186 : i32 to vector<256x256xi32>
      %add3A_188 = arith.addi %iota3A, %add3A_187 : vector<256x256xi32>
      %add3A_189 = arith.constant 4608 : i32
      %add3A_190 = vector.broadcast %add3A_189 : i32 to vector<256x256xi32>
      %add3A_191 = arith.addi %iota3A_0, %add3A_190 : vector<256x256xi32>
      %lt3A_192 = arith.cmpi slt, %add3A_188, %add3A_191 : vector<256x256xi32>
      %gt3A = arith.constant 5.000000e-01 : f32
      %gt3A_193 = vector.broadcast %gt3A : f32 to vector<256x256xf32>
      %gt3A_194 = arith.cmpf ogt, %div3A, %gt3A_193 : vector<256x256xf32>
      %and3A_195 = arith.andi %gt3A_194, %lt3A_192 : vector<256x256xi1>
      %jit3A_196 = arith.constant 1.000000e+00 : f32
      %jit3A_197 = arith.constant 0.000000e+00 : f32
      %broadcast_in_dim3A_198 = vector.broadcast %jit3A_196 : f32 to vector<256x256xf32>
      %broadcast_in_dim3A_199 = vector.broadcast %jit3A_197 : f32 to vector<256x256xf32>
      %select_n3A_200 = arith.select %and3A_195, %broadcast_in_dim3A_198, %broadcast_in_dim3A_199 : vector<256x256xi1>, vector<256x256xf32>
      %dot_general3A = arith.constant dense<0.000000e+00> : vector<256x8xf32>
      %dot_general3A_201 = tpu.matmul %select_n3A_200, %convert_element_type3A, %dot_general3A {dimension_numbers = #tpu.dot_dimension_numbers<[1], [0], [0], [1], [0, 0, 1, 1], [], []>, transpose_lhs_hint = false} : vector<256x256xf32>, vector<256x8xf32>, vector<256x8xf32> -> vector<256x8xf32>
      %dot_general3A_202 = arith.constant dense<0.000000e+00> : vector<256x8xf32>
      %dot_general3A_203 = tpu.matmul %select_n3A_200, %convert_element_type3A_21, %dot_general3A_202 {dimension_numbers = #tpu.dot_dimension_numbers<[1], [0], [0], [1], [0, 0, 1, 1], [], []>, transpose_lhs_hint = false} : vector<256x256xf32>, vector<256x8xf32>, vector<256x8xf32> -> vector<256x8xf32>
      %convert_element_type3A_204 = arith.fptosi %dot_general3A_203 : vector<256x8xf32> to vector<256x8xi32>
      %shift_left3A_205 = arith.constant 16 : i32
      %shift_left3A_206 = vector.broadcast %shift_left3A_205 : i32 to vector<256x8xi32>
      %shift_left3A_207 = arith.shli %convert_element_type3A_204, %shift_left3A_206 : vector<256x8xi32>
      %convert_element_type3A_208 = arith.fptosi %dot_general3A_201 : vector<256x8xf32> to vector<256x8xi32>
      %or3A = arith.ori %shift_left3A_207, %convert_element_type3A_208 : vector<256x8xi32>
      %swap3A_209 = arith.constant 0 : index
      %swap3A_210 = arith.constant 144 : index
      %swap3A_211 = vector.load %arg5[%swap3A_209, %swap3A_210] : memref<256x160xi32, #tpu.memory_space<vmem>>, vector<256x8xi32>
      tpu.vector_store %arg5[%swap3A_209, %swap3A_210], %or3A {strides = array<i32>} : memref<256x160xi32, #tpu.memory_space<vmem>>, vector<256x8xi32>,
    } else {
    }
    %le3A_145 = arith.constant 19 : i32
    %le3A_146 = arith.cmpi sle, %arg0, %le3A_145 : i32
    %convert_element_type3A_147 = arith.extui %le3A_146 : i1 to i32
    %cond3A_148 = arith.constant 0 : i32
    %cond3A_149 = arith.cmpi ne, %convert_element_type3A_147, %cond3A_148 : i32
    scf.if %cond3A_149 {
      %get3A_150 = arith.constant 19 : index
      %get3A_151 = arith.constant 0 : index
      %get3A_152 = vector.load %arg1[%get3A_150, %get3A_151] : memref<20x256xf32, #tpu.memory_space<vmem>>, vector<1x256xf32>
      %get3A_153 = arith.constant 19 : index
      %get3A_154 = arith.constant 0 : index
      %get3A_155 = vector.load %arg2[%get3A_153, %get3A_154] : memref<20x256xf32, #tpu.memory_space<vmem>>, vector<1x256xf32>
      %get3A_156 = arith.constant 19 : index
      %get3A_157 = arith.constant 0 : index
      %get3A_158 = vector.load %arg3[%get3A_156, %get3A_157] : memref<20x256xf32, #tpu.memory_space<vmem>>, vector<1x256xf32>
      %get3A_159 = arith.constant 19 : index
      %get3A_160 = arith.constant 0 : index
      %get3A_161 = vector.load %arg4[%get3A_159, %get3A_160] : memref<20x256xf32, #tpu.memory_space<vmem>>, vector<1x256xf32>
      %sub3A_162 = arith.subf %get3A_158, %get3A_152 : vector<1x256xf32>
      %sub3A_163 = arith.subf %get3A_161, %get3A_155 : vector<1x256xf32>
      %mul3A_164 = arith.mulf %sub3A_162, %sub3A_163 : vector<1x256xf32>
      %max3A = vector.broadcast %get3A_152 : vector<1x256xf32> to vector<256x256xf32>
      %max3A_165 = arith.maximumf %transpose3A, %max3A : vector<256x256xf32>
      %max3A_166 = vector.broadcast %get3A_155 : vector<1x256xf32> to vector<256x256xf32>
      %max3A_167 = arith.maximumf %transpose3A_38, %max3A_166 : vector<256x256xf32>
      %min3A = vector.broadcast %get3A_158 : vector<1x256xf32> to vector<256x256xf32>
      %min3A_168 = arith.minimumf %transpose3A_41, %min3A : vector<256x256xf32>
      %min3A_169 = vector.broadcast %get3A_161 : vector<1x256xf32> to vector<256x256xf32>
      %min3A_170 = arith.minimumf %transpose3A_44, %min3A_169 : vector<256x256xf32>
      %sub3A_171 = arith.subf %min3A_168, %max3A_165 : vector<256x256xf32>
      %max3A_172 = arith.constant 0.000000e+00 : f32
      %max3A_173 = vector.broadcast %max3A_172 : f32 to vector<256x256xf32>
      %max3A_174 = arith.maximumf %sub3A_171, %max3A_173 : vector<256x256xf32>
      %sub3A_175 = arith.subf %min3A_170, %max3A_167 : vector<256x256xf32>
      %max3A_176 = arith.constant 0.000000e+00 : f32
      %max3A_177 = vector.broadcast %max3A_176 : f32 to vector<256x256xf32>
      %max3A_178 = arith.maximumf %sub3A_175, %max3A_177 : vector<256x256xf32>
      %mul3A_179 = arith.mulf %max3A_174, %max3A_178 : vector<256x256xf32>
      %add3A = vector.broadcast %mul3A_164 : vector<1x256xf32> to vector<256x256xf32>
      %add3A_180 = arith.addf %transpose3A_47, %add3A : vector<256x256xf32>
      %sub3A_181 = arith.subf %add3A_180, %mul3A_179 : vector<256x256xf32>
      %add3A_182 = arith.constant 9.99999971E-10 : f32
      %add3A_183 = vector.broadcast %add3A_182 : f32 to vector<256x256xf32>
      %add3A_184 = arith.addf %sub3A_181, %add3A_183 : vector<256x256xf32>
      %div3A = arith.divf %mul3A_179, %add3A_184 : vector<256x256xf32>
      %mul3A_185 = arith.constant 256 : i32
      %mul3A_186 = arith.muli %arg0, %mul3A_185 : i32
      %add3A_187 = vector.broadcast %mul3A_186 : i32 to vector<256x256xi32>
      %add3A_188 = arith.addi %iota3A, %add3A_187 : vector<256x256xi32>
      %add3A_189 = arith.constant 4864 : i32
      %add3A_190 = vector.broadcast %add3A_189 : i32 to vector<256x256xi32>
      %add3A_191 = arith.addi %iota3A_0, %add3A_190 : vector<256x256xi32>
      %lt3A_192 = arith.cmpi slt, %add3A_188, %add3A_191 : vector<256x256xi32>
      %gt3A = arith.constant 5.000000e-01 : f32
      %gt3A_193 = vector.broadcast %gt3A : f32 to vector<256x256xf32>
      %gt3A_194 = arith.cmpf ogt, %div3A, %gt3A_193 : vector<256x256xf32>
      %and3A_195 = arith.andi %gt3A_194, %lt3A_192 : vector<256x256xi1>
      %jit3A_196 = arith.constant 1.000000e+00 : f32
      %jit3A_197 = arith.constant 0.000000e+00 : f32
      %broadcast_in_dim3A_198 = vector.broadcast %jit3A_196 : f32 to vector<256x256xf32>
      %broadcast_in_dim3A_199 = vector.broadcast %jit3A_197 : f32 to vector<256x256xf32>
      %select_n3A_200 = arith.select %and3A_195, %broadcast_in_dim3A_198, %broadcast_in_dim3A_199 : vector<256x256xi1>, vector<256x256xf32>
      %dot_general3A = arith.constant dense<0.000000e+00> : vector<256x8xf32>
      %dot_general3A_201 = tpu.matmul %select_n3A_200, %convert_element_type3A, %dot_general3A {dimension_numbers = #tpu.dot_dimension_numbers<[1], [0], [0], [1], [0, 0, 1, 1], [], []>, transpose_lhs_hint = false} : vector<256x256xf32>, vector<256x8xf32>, vector<256x8xf32> -> vector<256x8xf32>
      %dot_general3A_202 = arith.constant dense<0.000000e+00> : vector<256x8xf32>
      %dot_general3A_203 = tpu.matmul %select_n3A_200, %convert_element_type3A_21, %dot_general3A_202 {dimension_numbers = #tpu.dot_dimension_numbers<[1], [0], [0], [1], [0, 0, 1, 1], [], []>, transpose_lhs_hint = false} : vector<256x256xf32>, vector<256x8xf32>, vector<256x8xf32> -> vector<256x8xf32>
      %convert_element_type3A_204 = arith.fptosi %dot_general3A_203 : vector<256x8xf32> to vector<256x8xi32>
      %shift_left3A_205 = arith.constant 16 : i32
      %shift_left3A_206 = vector.broadcast %shift_left3A_205 : i32 to vector<256x8xi32>
      %shift_left3A_207 = arith.shli %convert_element_type3A_204, %shift_left3A_206 : vector<256x8xi32>
      %convert_element_type3A_208 = arith.fptosi %dot_general3A_201 : vector<256x8xf32> to vector<256x8xi32>
      %or3A = arith.ori %shift_left3A_207, %convert_element_type3A_208 : vector<256x8xi32>
      %swap3A_209 = arith.constant 0 : index
      %swap3A_210 = arith.constant 152 : index
      %swap3A_211 = vector.load %arg5[%swap3A_209, %swap3A_210] : memref<256x160xi32, #tpu.memory_space<vmem>>, vector<256x8xi32>
      tpu.vector_store %arg5[%swap3A_209, %swap3A_210], %or3A {strides = array<i32>} : memref<256x160xi32, #tpu.memory_space<vmem>>, vector<256x8xi32>,
    } else {
    }
    return
  }
  func.func @transform_0(%arg0: i32) -> (i32, i32) {
    %c0_i32 = arith.constant 0 : i32
    %c0_i32_0 = arith.constant 0 : i32
    %c0_i32_1 = arith.constant 0 : i32
    return %c0_i32, %c0_i32_0 : i32, i32
  }
  func.func @transform_1(%arg0: i32) -> (i32, i32) {
    %c0_i32 = arith.constant 0 : i32
    %c0_i32_0 = arith.constant 0 : i32
    %c0_i32_1 = arith.constant 0 : i32
    return %c0_i32, %c0_i32_0 : i32, i32
  }
  func.func @transform_2(%arg0: i32) -> (i32, i32) {
    %c0_i32 = arith.constant 0 : i32
    %c0_i32_0 = arith.constant 0 : i32
    %c0_i32_1 = arith.constant 0 : i32
    return %c0_i32, %c0_i32_0 : i32, i32
  }
  func.func @transform_3(%arg0: i32) -> (i32, i32) {
    %c0_i32 = arith.constant 0 : i32
    %c0_i32_0 = arith.constant 0 : i32
    %c0_i32_1 = arith.constant 0 : i32
    return %c0_i32, %c0_i32_0 : i32, i32
  }
  func.func @transform_4(%arg0: i32) -> (i32, i32) {
    %c0_i32 = arith.constant 0 : i32
    %c0_i32_0 = arith.constant 0 : i32
    return %arg0, %c0_i32 : i32, i32
  }
}

</mosaic_0001>

<sc_bundles>
// kernel: kernel.4.cloned.1.call-start
scs
__scs_entry_jumppad:
0x0: {  	(pc) =	sbr.rel $0x88, $3  }
0x1: {  	(tag) =	ssettag $0x0;
	lr =	simm.s32 $0x1  }
0x2: {  	[smem:$0x3F9F] =	sst lr;
	_ =	strace $0xD0000000  }
0x3: {  	_ = 	snop  }
0x4: {  	_ = 	snop  }
0x5: {  	_ = 	snop  }
0x6: {  	_ = 	snop  }
0x7: {  	_ = 	snop  }
__scs_overlays_trampoline_lowered:
0x8: {  	[smem:$0x3FAE] =	sst s0  }
0x9: {  	[smem:$0x3FAF] =	sst s1  }
0xa: {  	[smem:$0x3FB0] =	sst s2  }
0xb: {  	[smem:$0x3FB1] =	sst s3  }
0xc: {  	[smem:$0x3FB2] =	sst s4  }
0xd: {  	[smem:$0x3FB3] =	sst s5  }
0xe: {  	[smem:$0x3FB4] =	sst s6  }
0xf: {  	[smem:$0x3FB5] =	sst s7  }
0x10: {  	[smem:$0x3FB6] =	sst s8  }
0x11: {  	[smem:$0x3FB7] =	sst s9;
	s0 =	simm.s32 @!p0 $0x0  }
0x12: {  	s1 =	sld [smem:$0x3F9D];
	s0 =	simm.s32 @p0 $0x1  }
0x13: {  	[smem:$0x3FB8] =	sst s0;
	s0 =	simm.s32 @!p1 $0x0  }
0x14: {  	s2 =	sld [smem:$0x3F9C];
	s0 =	simm.s32 @p1 $0x1  }
0x15: {  	[smem:$0x3FB9] =	sst s0;
	s0 =	simm.s32 @!p2 $0x0  }
0x16: {  	s3 =	sld [smem:$0x3FDB];
	s0 =	simm.s32 @p2 $0x1  }
0x17: {  	s4 =	simm.s32 $0x1BF5;
	[smem:$0x3FBB] =	sst s0  }
0x18: {  	s0 =	sld [smem:$0x3F9E];
	_ =	swait.ge [sflag:s4], $0x0  }
0x19: {  	s7 =	sld [smem:$0x3F9F]  }
0x1a: {  	s8 =	sadd.s32 $0xFFFFE003, lr  }
0x1b: {  	s9 =	sadd.s32 $0xFFFFFEF7, lr;
	s5 =	simm.s32 $0xFFFFFFFF;
	p2 =	slt.u32 s8, $0xFFFFF086  }
0x1c: {  	p1 =	slt.u32 s9, $0xF7A;
	s5 =	simm.s32 @!p2 $0x0  }
0x1d: {  	s5 =	simm.s32 @p1 $0x1;
	p0 =	seq.s32 s7, s2  }
0x1e: {  	s7 =	smul.u32 @!p0 $0xF7A, s2;
	p2 =	seq.s32 @!p0 s5, $0x0  }
0x1f: {  	s9 =	smul.u32 $0xF7A, s1;
	s8 =	simm.s32 @!p0 $0x1BF5;
	p2 =	por !p2, p0  }
0x20: {  	[sflag:s8] =	ssyncset.s32 @!p0 $0xFFFFF086;
	s6 =	sadd.s32 @!p0 s3, s7;
	s7 =	simm.s32 @!p0 $0x108  }
0x21: {  	s3 =	sadd.s32 s3, s9;
	s6 =	sadd.s32 @!p0 $0x88, s6;
	s7 =	simm.s32 @p2 $0x1082  }
0x22: {  	[simem:s7], [sflag:s8] =	dma.local @!p0 [hbm:s6], $0xF7A  }
0x23: {  	s9 =	sor.u32 $0xD0000000, s2;
	s6 =	simm.s32 $0x108;
	_ =	swait.ge @!p0 [sflag:s8], $0x0  }
0x24: {  	s3 =	sadd.s32 $0x88, s3;
	s6 =	simm.s32 @!p1 $0x1082;
	[sflag:s4] =	ssyncset.s32 $0xFFFFF086  }
0x25: {  	[simem:s6], [sflag:s4] =	dma.local [hbm:s3], $0xF7A  }
0x26: {  	[smem:$0x3F9F] =	sst s1;
	(tag) =	ssettag s2;
	_ =	strace s9  }
0x27: {  	s1 =	sld [smem:$0x3FAF]  }
0x28: {  	s2 =	sld [smem:$0x3FB0]  }
0x29: {  	s4 =	sld [smem:$0x3FB2]  }
0x2a: {  	p0 =	seq.s32 s5, $0x0;
	s5 =	sld [smem:$0x3FB3]  }
0x2b: {  	s6 =	sld [smem:$0x3FB4]  }
0x2c: {  	s7 =	sld [smem:$0x3FB5]  }
0x2d: {  	s3 =	simm.s32 $0x108;
	s8 =	sld [smem:$0x3FB6]  }
0x2e: {  	s3 =	simm.s32 @!p0 $0x1082;
	s9 =	sld [smem:$0x3FB7]  }
0x2f: {  	lr =	sadd.s32 s0, s3;
	s0 =	sld [smem:$0x3FAE]  }
0x30: {  	s3 =	sld [smem:$0x3FB1]  }
0x31: {  	[smem:$0x3FBA] =	sst s10  }
0x32: {  	s10 =	sld [smem:$0x3FB8];
	_ =	sdelay $0x3  }
0x33: {  	p0 =	seq.s32 s10, $0x1;
	s10 =	sld [smem:$0x3FBA];
	_ =	sdelay $0x3  }
0x34: {  	[smem:$0x3FBA] =	sst s10  }
0x35: {  	s10 =	sld [smem:$0x3FB9];
	_ =	sdelay $0x3  }
0x36: {  	p1 =	seq.s32 s10, $0x1;
	s10 =	sld [smem:$0x3FBA];
	_ =	sdelay $0x3  }
0x37: {  	[smem:$0x3FBA] =	sst s10  }
0x38: {  	s10 =	sld [smem:$0x3FBB]  }
0x39: {  	_ = 	snop;
	(pc) =	sbr.ind lr, $3  }
0x3a: {  	_ = 	snop  }
0x3b: {  	_ = 	snop  }
0x3c: {  	p2 =	seq.s32 s10, $0x1;
	s10 =	sld [smem:$0x3FBA]  }
0x3d: {  	_ =	shalt  }
0x3e: {  	_ =	shalt  }
0x3f: {  	_ =	shalt  }
0x40: {  	_ =	shalt  }
0x41: {  	_ =	shalt  }
0x42: {  	_ =	shalt  }
0x43: {  	_ =	shalt  }
0x44: {  	_ =	shalt  }
0x45: {  	_ =	shalt  }
0x46: {  	_ =	shalt  }
0x47: {  	_ =	shalt  }
0x48: {  	_ =	shalt  }
0x49: {  	_ =	shalt  }
0x4a: {  	_ =	shalt  }
0x4b: {  	_ =	shalt  }
0x4c: {  	_ =	shalt  }
0x4d: {  	_ =	shalt  }
0x4e: {  	_ =	shalt  }
0x4f: {  	_ =	shalt  }
0x50: {  	_ =	shalt  }
0x51: {  	_ =	shalt  }
0x52: {  	_ =	shalt  }
0x53: {  	_ =	shalt  }
0x54: {  	_ =	shalt  }
0x55: {  	_ =	shalt  }
0x56: {  	_ =	shalt  }
0x57: {  	_ =	shalt  }
0x58: {  	_ =	shalt  }
0x59: {  	_ =	shalt  }
0x5a: {  	_ =	shalt  }
0x5b: {  	_ =	shalt  }
0x5c: {  	_ =	shalt  }
0x5d: {  	_ =	shalt  }
0x5e: {  	_ =	shalt  }
0x5f: {  	_ =	shalt  }
0x60: {  	_ =	shalt  }
0x61: {  	_ =	shalt  }
0x62: {  	_ =	shalt  }
0x63: {  	_ =	shalt  }
0x64: {  	_ =	shalt  }
0x65: {  	_ =	shalt  }
0x66: {  	_ =	shalt  }
0x67: {  	_ =	shalt  }
0x68: {  	_ =	shalt  }
0x69: {  	_ =	shalt  }
0x6a: {  	_ =	shalt  }
0x6b: {  	_ =	shalt  }
0x6c: {  	_ =	shalt  }
0x6d: {  	_ =	shalt  }
0x6e: {  	_ =	shalt  }
0x6f: {  	_ =	shalt  }
0x70: {  	_ =	shalt  }
0x71: {  	_ =	shalt  }
0x72: {  	_ =	shalt  }
0x73: {  	_ =	shalt  }
0x74: {  	_ =	shalt  }
0x75: {  	_ =	shalt  }
0x76: {  	_ =	shalt  }
0x77: {  	_ =	shalt  }
0x78: {  	_ =	shalt  }
0x79: {  	_ =	shalt  }
0x7a: {  	_ =	shalt  }
0x7b: {  	_ =	shalt  }
0x7c: {  	_ =	shalt  }
0x7d: {  	_ =	shalt  }
0x7e: {  	_ =	shalt  }
0x7f: {  	_ =	shalt  }
0x80: {  	_ =	shalt  }
0x81: {  	_ =	shalt  }
0x82: {  	_ =	shalt  }
0x83: {  	_ =	shalt  }
0x84: {  	_ =	shalt  }
0x85: {  	_ =	shalt  }
0x86: {  	_ =	shalt  }
0x87: {  	_ =	shalt  }
.Lfunc_end0:
.L_simem_size_0:
called_computation_lowered:
.L_overlay_start_0:
0x88: {  	s2 =	sld [smem:$0x3FD9]  }
0x89: {  	s3 =	sld [smem:$0x3FFE];
	_ =	sdelay $0x1  }
0x8a: {  	s1 =	srdreg.scid  }
0x8b: {  	s0 =	sand.u32 $0x1, s1  }
0x8c: {  	s14 =	sshll.u32 s0, $0xA;
	s2 =	sadd.s32 s3, s2  }
0x8d: {  	s2 =	sadd.s32 s2, s14  }
0x8e: {  	[smem:$0x3FC6] =	sst s2  }
0x8f: {  	_ = 	snop  }
0x90: {  	s2 =	sld [smem:$0x3FD0];
	_ =	sdelay $0x2  }
0x91: {  	s15 =	simm.s32 $0xA;
	s4 =	simm.s32 $0x10  }
0x92: {  	[smem:s4], [sflag:s15] =	dma.local [hbm:s2], $0x1  }
0x93: {  	_ =	swait.eq [sflag:s15], $0x1  }
0x94: {  	[sflag:s15] =	ssyncset.done $0x0  }
0x95: {  	[sflag:s15] =	ssyncadd.s32 $0xFFFFFFFF  }
0x96: {  	s16 =	sld [smem:$0x11];
	(tm) =	ssettm $0x1  }
0x97: {  	s17 =	sld [smem:$0x3FFB];
	_ =	sdelay $0x3  }
0x98: {  	_ =	strace s17  }
0x99: {  	s3 =	sld [smem:$0x3FFC];
	_ =	sdelay $0x3  }
0x9a: {  	_ =	strace s3  }
0x9b: {  	s3 =	sld [smem:$0x3FFD];
	_ =	sdelay $0x3  }
0x9c: {  	_ =	strace s3  }
0x9d: {  	_ =	strace $0x8FFFFFFF  }
0x9e: {  	s18 =	sld [smem:$0x3FDB];
	_ =	sdelay $0x1  }
0x9f: {  	s19 =	simm.s32 $_scs_section_size  }
0xa0: {  	s5 =	simm.s32 $_size__tile_overlayer_lowered;
	s6 =	simm.s32 $_tile_overlayer_lowered  }
0xa1: {  	s22 =	simm.s32 $0x1BFF;
	s21 =	sshll.u32 s6, $0x1;
	s3 =	sadd.s32 s19, s18  }
0xa2: {  	s7 =	simm.s32 $0x0;
	s20 =	sshll.u32 s5, $0x1;
	s5 =	sadd.s32 s21, s3  }
0xa3: {  	[timem:s7], [sflag:s22] =	dma.local [hbm:s5], s20  }
0xa4: {  	_ =	swait.ge [sflag:s22], s20  }
0xa5: {  	s4 =	ssub.s32 $0x0, s20;
	[sflag:s22] =	ssyncset.done $0x0  }
0xa6: {  	[sflag:s22] =	ssyncadd.s32 s4;
	_ =	sdelay $0x1  }
0xa7: {  	s23 =	simm.s32 $0x1B8B  }
0xa8: {  	_ =	swait.ge [sflag:s23], $0x1  }
0xa9: {  	[sflag:s23] =	ssyncset.done $0x0  }
0xaa: {  	s25 =	simm.s32 $0x1B8E;
	s24 =	sld [smem:$0x3FFE];
	[sflag:s23] =	ssyncadd.s32 $0xFFFFFFFF  }
0xab: {  	s26 =	simm.s32 $execute0_lowered;
	[smem:$0x3FD2] =	sst s25  }
0xac: {  	s5 =	sshll.u32 s26, $0x1;
	_ =	strace $0x80000046;
	[dreg:$0x1] =	wrdreg $0xFFFFFFFF  }
0xad: {  	s28 =	simm.s32 $_size_execute0_lowered;
	s3 =	sadd.s32 s3, s5;
	[dreg:$0x0] =	wrdreg $0x0  }
0xae: {  	s5 =	sshll.u32 s28, $0x1;
	[dreg:$0x2] =	wrdreg s3  }
0xaf: {  	[dreg:$0x3] =	wrdreg s5  }
0xb0: {  	[dreg:$0x4] =	wrdreg $0xC0  }
0xb1: {  	_ =	task [dreg:s7], $0x5FFFF  }
0xb2: {  	[dreg:$0x1] =	wrdreg $0xFFFFFFFF  }
0xb3: {  	[dreg:$0x0] =	wrdreg $0x60  }
0xb4: {  	[dreg:$0x2] =	wrdreg s24  }
0xb5: {  	[dreg:$0x3] =	wrdreg s16  }
0xb6: {  	[dreg:$0x4] =	wrdreg $0x9  }
0xb7: {  	_ =	task.clear_ibuf [dreg:s7], $0x5FFFF;
	_ =	strace $0x90000046  }
0xb8: {  	s29 =	simm.s32 $0x9;
	_ =	strace $0x80000048  }
0xb9: {  	_ =	swait.ge [sflag:s29], $0x1  }
0xba: {  	[sflag:s29] =	ssyncadd.s32 $0xFFFFFFFF  }
0xbb: {  	_ =	strace $0x90000048  }
0xbc: {  	_ =	sfence  }
0xbd: {  	s30 =	sld [smem:$0x0];
	_ =	sdelay $0x2  }
0xbe: {  	s31 =	sshll.u32 s1, $0xD;
	s1 =	sshrl.u32 s1, $0x2  }
0xbf: {  	s3 =	sand.u32 $0x4000, s31;
	s1 =	sadd.s32 s1, s30  }
0xc0: {  	s0 =	sor.u32 s3, s0;
	s1 =	sshll.u32 s1, $0x11  }
0xc1: {  	s0 =	sor.u32 s1, s0  }
0xc2: {  	s0 =	sadd.s32 $0x8F2B, s0  }
0xc3: {  	[sflag:s0] =	ssyncadd.remote.s32 $0x1  }
0xc4: {  	_ =	sfence.sel $0xFFFF  }
0xc5: {  	[dreg:$0x0] =	wrdreg $0xFFFFFFFF;
	(pc) =	sbr.abs _section_cstart, $3  }
0xc6: {  	[dreg:$0x1] =	wrdreg $0xFFFFFFFF  }
0xc7: {  	_ =	task.clear_ibuf [dreg:s7], $0x2FFFF;
	_ =	strace $0x9FFFFFFF  }
0xc8: {  	(tm) =	ssettm $0x7FFFFFFF  }
0xc9: {  	_ =	shalt  }
tec
execute0_lowered:
.L_overlay_start_1:
0x0: {  	(tag) =	ssettag $0x1  }
0x1: {  	s0 =	srdreg.scid  }
0x2: {  	s1 =	stileid.u32;
	s5 =	sand.u32 $0x1, s0  }
0x3: {  	s6 =	sor.u32 s1, s5  }
0x4: {  	p0 =	sne.s32 s6, $0x0  }
.Ltmp0:
0x5: {  	_ = 	snop;
	(pc) =	sbr.rel @p0 .LBB2_9-.Ltmp0, $4  }
0x6: {  	s2 =	rddreg [dreg:$0x0]  }
0x7: {  	s3 =	rddreg [dreg:$0x1];
	s4 =	simm.s32 $0x0  }
0x8: {  	[smem:$0x7FF] =	sst s4  }
0x9: {  	s0 =	rddreg [dreg:$0x2];
	_ =	strace $0x80000047  }
0xa: {  	s5 =	ssub.s32 $0x2, s5  }
0xb: {  	s7 =	simm.s32 $0x3;
	s8 =	simm.s32 $0x8100;
	s9 =	simm.s32 $0x2  }
0xc: {  	s10 =	simm.s32 $0x1;
	s11 =	simm.s32 $0x0;
	s6 =	sshrl.u32 s5, $0x1  }
0xd: {  	v0 =	vimm.s32 $0x0;
	s12 =	simm.s32 $0x0;
	s5 =	ssub.s32 s5, s6;
	s6 =	simm.s32 $0x100  }
.LBB2_2:
0xe: {  	[tilespmem:$0x0] =	vst v0  }
0xf: {  	[tilespmem:$0x10] =	vst v0  }
0x10: {  	[tilespmem:$0x20] =	vst v0  }
0x11: {  	[tilespmem:$0x30] =	vst v0  }
0x12: {  	[tilespmem:$0x40] =	vst v0  }
0x13: {  	[tilespmem:$0x50] =	vst v0  }
0x14: {  	[tilespmem:$0x60] =	vst v0  }
0x15: {  	[tilespmem:$0x70] =	vst v0  }
0x16: {  	[tilespmem:$0x80] =	vst v0  }
0x17: {  	[tilespmem:$0x90] =	vst v0  }
0x18: {  	[tilespmem:$0xA0] =	vst v0  }
0x19: {  	[tilespmem:s6], [sflag:$0x3] =	stream.linear.gather [hbm4b:s2+s12], $0x8000, $0x38;
	[tilespmem:$0x10100] =	vst v63  }
0x1a: {  	_ =	swait.ge [sflag:s7], $0x8000  }
0x1b: {  	s13 =	simm.s32 $0x80;
	[sflag:s7] =	ssyncset.done $0x0  }
0x1c: {  	s14 =	simm.s32 $0x0;
	s15 =	simm.s32 $0x0;
	[sflag:s7] =	ssyncadd.s32 $0xFFFF8000  }
.LBB2_3:
0x1d: {  	s16 =	sshll.u32 s15, $0xD  }
0x1e: {  	s16 =	sadd.s32 s16, s2  }
0x1f: {  	s30 =	sadd.s32 $0x0, s14;
	s16 =	sadd.s32 $0x1000, s16  }
0x20: {  	[tilespmem:s8], [sflag:$0x2] =	stream.linear.gather [hbm4b:s16+s12], $0x8000, $0x38;
	[tilespmem:$0x10100] =	vst v63  }
0x21: {  	s16 =	sshrl.u32 s30, $0x5  }
0x22: {  	v1 =	vld [tilespmem:s16+$0x0];
	_ =	sdelay $0x4  }
0x23: {  	(v2sf) =	vpush v1, $0x0;
	_ =	sdelay $0xe  }
0x24: {  	s31 =	sand.u32 $0x1F, s12;
	s17 =	spop (v2sf)  }
0x25: {  	s16 =	sshrl.u32 s17, s31  }
0x26: {  	s16 =	sand.u32 $0x1, s16  }
0x27: {  	p0 =	seq.s32 s16, $0x1  }
0x28: {  	s16 =	sand.u32 @!p0 $0x7800, s12;
	s17 =	sand.u32 @!p0 $0x380, s12  }
0x29: {  	v1 =	vld @!p0 [tilespmem:$0x0];
	s16 =	sor.u32 @!p0 s17, s16  }
0x2a: {  	v2 =	vld @!p0 [tilespmem:s16+$0x100];
	_ =	sdelay $0x4  }
0x2b: {  	v1 =	vor.u32 @!p0 v1, v2  }
0x2c: {  	[tilespmem:$0x0] =	vst @!p0 v1;
	v1 =	vld @!p0 [tilespmem:$0x10]  }
0x2d: {  	v2 =	vld @!p0 [tilespmem:s16+$0x110];
	_ =	sdelay $0x4  }
0x2e: {  	v1 =	vor.u32 @!p0 v1, v2  }
0x2f: {  	[tilespmem:$0x10] =	vst @!p0 v1;
	v1 =	vld @!p0 [tilespmem:$0x20]  }
0x30: {  	v2 =	vld @!p0 [tilespmem:s16+$0x120];
	_ =	sdelay $0x4  }
0x31: {  	v1 =	vor.u32 @!p0 v1, v2  }
0x32: {  	[tilespmem:$0x20] =	vst @!p0 v1;
	v1 =	vld @!p0 [tilespmem:$0x30]  }
0x33: {  	v2 =	vld @!p0 [tilespmem:s16+$0x130];
	_ =	sdelay $0x4  }
0x34: {  	v1 =	vor.u32 @!p0 v1, v2  }
0x35: {  	[tilespmem:$0x30] =	vst @!p0 v1;
	v1 =	vld @!p0 [tilespmem:$0x40]  }
0x36: {  	v2 =	vld @!p0 [tilespmem:s16+$0x140];
	_ =	sdelay $0x4  }
0x37: {  	v1 =	vor.u32 @!p0 v1, v2  }
0x38: {  	[tilespmem:$0x40] =	vst @!p0 v1;
	v1 =	vld @!p0 [tilespmem:$0x50]  }
0x39: {  	v2 =	vld @!p0 [tilespmem:s16+$0x150];
	_ =	sdelay $0x4  }
0x3a: {  	v1 =	vor.u32 @!p0 v1, v2  }
0x3b: {  	[tilespmem:$0x50] =	vst @!p0 v1;
	v1 =	vld @!p0 [tilespmem:$0x60]  }
0x3c: {  	v2 =	vld @!p0 [tilespmem:s16+$0x160];
	_ =	sdelay $0x4  }
0x3d: {  	v1 =	vor.u32 @!p0 v1, v2  }
0x3e: {  	[tilespmem:$0x60] =	vst @!p0 v1;
	v1 =	vld @!p0 [tilespmem:$0x70]  }
0x3f: {  	v2 =	vld @!p0 [tilespmem:s16+$0x170];
	_ =	sdelay $0x4  }
0x40: {  	v1 =	vor.u32 @!p0 v1, v2  }
0x41: {  	[tilespmem:$0x70] =	vst @!p0 v1;
	v1 =	vld @!p0 [tilespmem:$0x80]  }
0x42: {  	v2 =	vld @!p0 [tilespmem:s16+$0x500];
	_ =	sdelay $0x4  }
0x43: {  	v1 =	vor.u32 @!p0 v1, v2  }
0x44: {  	[tilespmem:$0x80] =	vst @!p0 v1;
	v1 =	vld @!p0 [tilespmem:$0x90]  }
0x45: {  	v2 =	vld @!p0 [tilespmem:s16+$0x510];
	_ =	sdelay $0x3  }
0x46: {  	s19 =	simm.s32 $0x1;
	s20 =	simm.s32 $0x2;
	s21 =	sadd.s32 $0x1, s14  }
0x47: {  	s18 =	simm.s32 $0x0;
	s17 =	simm.s32 $0x100;
	s16 =	sshll.u32 s15, $0x1;
	v1 =	vor.u32 @!p0 v1, v2  }
.LBB2_4:
0x48: {  	s21 =	sshrl.u32 s21, $0x5  }
0x49: {  	[tilespmem:$0x90] =	vst @!p0 v1;
	s18 =	sadd.s32 $0x80, s18;
	s22 =	smov.u32 s20;
	s20 =	sadd.s32 $0x1, s20  }
0x4a: {  	p1 =	sne.s32 s20, $0x80;
	v1 =	vld [tilespmem:s21+$0x0];
	_ =	sdelay $0x4  }
0x4b: {  	(v2sf) =	vpush v1, $0x0;
	_ =	sdelay $0xe  }
0x4c: {  	s21 =	sand.u32 $0x1F, s19;
	s19 =	smov.u32 s22;
	s23 =	spop (v2sf)  }
0x4d: {  	s21 =	sshrl.u32 s23, s21  }
0x4e: {  	s21 =	sand.u32 $0x1, s21  }
0x4f: {  	p0 =	seq.s32 s21, $0x1  }
0x50: {  	s21 =	sand.u32 @!p0 $0x7800, s17;
	s22 =	sand.u32 @!p0 $0x380, s18  }
0x51: {  	v1 =	vld @!p0 [tilespmem:$0x0];
	s21 =	sor.u32 @!p0 s22, s21  }
0x52: {  	v2 =	vld @!p0 [tilespmem:s21+$0x100];
	_ =	sdelay $0x4  }
0x53: {  	v1 =	vor.u32 @!p0 v1, v2  }
0x54: {  	[tilespmem:$0x0] =	vst @!p0 v1;
	v1 =	vld @!p0 [tilespmem:$0x10]  }
0x55: {  	v2 =	vld @!p0 [tilespmem:s21+$0x110];
	_ =	sdelay $0x4  }
0x56: {  	v1 =	vor.u32 @!p0 v1, v2  }
0x57: {  	[tilespmem:$0x10] =	vst @!p0 v1;
	v1 =	vld @!p0 [tilespmem:$0x20]  }
0x58: {  	v2 =	vld @!p0 [tilespmem:s21+$0x120];
	_ =	sdelay $0x4  }
0x59: {  	v1 =	vor.u32 @!p0 v1, v2  }
0x5a: {  	[tilespmem:$0x20] =	vst @!p0 v1;
	v1 =	vld @!p0 [tilespmem:$0x30]  }
0x5b: {  	v2 =	vld @!p0 [tilespmem:s21+$0x130];
	_ =	sdelay $0x4  }
0x5c: {  	v1 =	vor.u32 @!p0 v1, v2  }
0x5d: {  	[tilespmem:$0x30] =	vst @!p0 v1;
	v1 =	vld @!p0 [tilespmem:$0x40]  }
0x5e: {  	v2 =	vld @!p0 [tilespmem:s21+$0x140];
	_ =	sdelay $0x4  }
0x5f: {  	v1 =	vor.u32 @!p0 v1, v2  }
0x60: {  	[tilespmem:$0x40] =	vst @!p0 v1;
	v1 =	vld @!p0 [tilespmem:$0x50]  }
0x61: {  	v2 =	vld @!p0 [tilespmem:s21+$0x150];
	_ =	sdelay $0x4  }
0x62: {  	v1 =	vor.u32 @!p0 v1, v2  }
0x63: {  	[tilespmem:$0x50] =	vst @!p0 v1;
	v1 =	vld @!p0 [tilespmem:$0x60]  }
0x64: {  	v2 =	vld @!p0 [tilespmem:s21+$0x160];
	_ =	sdelay $0x4  }
0x65: {  	v1 =	vor.u32 @!p0 v1, v2  }
0x66: {  	[tilespmem:$0x60] =	vst @!p0 v1;
	v1 =	vld @!p0 [tilespmem:$0x70]  }
0x67: {  	v2 =	vld @!p0 [tilespmem:s21+$0x170];
	_ =	sdelay $0x4  }
0x68: {  	v1 =	vor.u32 @!p0 v1, v2  }
0x69: {  	[tilespmem:$0x70] =	vst @!p0 v1;
	v1 =	vld @!p0 [tilespmem:$0x80]  }
0x6a: {  	v2 =	vld @!p0 [tilespmem:s21+$0x500];
	_ =	sdelay $0x4  }
0x6b: {  	v1 =	vor.u32 @!p0 v1, v2  }
0x6c: {  	[tilespmem:$0x80] =	vst @!p0 v1;
	v1 =	vld @!p0 [tilespmem:$0x90]  }
0x6d: {  	v2 =	vld @!p0 [tilespmem:s21+$0x510]  }
.Ltmp1:
0x6e: {  	(pc) =	sbr.rel @p1 .LBB2_4-.Ltmp1, $2  }
0x6f: {  	_ =	sdelay $0x2  }
0x70: {  	s17 =	sadd.s32 $0x100, s17;
	s21 =	sadd.s32 s19, s14;
	v1 =	vor.u32 @!p0 v1, v2  }
0x71: {  	s20 =	sshrl.u32 s21, $0x5;
	[tilespmem:$0x90] =	vst @!p0 v1  }
0x72: {  	v1 =	vld [tilespmem:s20+$0x0];
	_ =	sdelay $0x4  }
0x73: {  	(v2sf) =	vpush v1, $0x0;
	_ =	sdelay $0xe  }
0x74: {  	s19 =	sand.u32 $0x1F, s19;
	s26 =	spop (v2sf)  }
0x75: {  	s19 =	sshrl.u32 s26, s19  }
0x76: {  	s19 =	sand.u32 $0x1, s19  }
0x77: {  	s18 =	sadd.s32 $0x80, s18;
	p0 =	seq.s32 s19, $0x1  }
0x78: {  	s17 =	sand.u32 @!p0 $0x7800, s17;
	s18 =	sand.u32 @!p0 $0x380, s18  }
0x79: {  	v1 =	vld @!p0 [tilespmem:$0x0];
	s17 =	sor.u32 @!p0 s18, s17  }
0x7a: {  	v2 =	vld @!p0 [tilespmem:s17+$0x100];
	_ =	sdelay $0x4  }
0x7b: {  	v1 =	vor.u32 @!p0 v1, v2  }
0x7c: {  	[tilespmem:$0x0] =	vst @!p0 v1;
	v1 =	vld @!p0 [tilespmem:$0x10]  }
0x7d: {  	v2 =	vld @!p0 [tilespmem:s17+$0x110];
	_ =	sdelay $0x4  }
0x7e: {  	v1 =	vor.u32 @!p0 v1, v2  }
0x7f: {  	[tilespmem:$0x10] =	vst @!p0 v1;
	v1 =	vld @!p0 [tilespmem:$0x20]  }
0x80: {  	v2 =	vld @!p0 [tilespmem:s17+$0x120];
	_ =	sdelay $0x4  }
0x81: {  	v1 =	vor.u32 @!p0 v1, v2  }
0x82: {  	[tilespmem:$0x20] =	vst @!p0 v1;
	v1 =	vld @!p0 [tilespmem:$0x30]  }
0x83: {  	v2 =	vld @!p0 [tilespmem:s17+$0x130];
	_ =	sdelay $0x4  }
0x84: {  	v1 =	vor.u32 @!p0 v1, v2  }
0x85: {  	[tilespmem:$0x30] =	vst @!p0 v1;
	v1 =	vld @!p0 [tilespmem:$0x40]  }
0x86: {  	v2 =	vld @!p0 [tilespmem:s17+$0x140];
	_ =	sdelay $0x4  }
0x87: {  	v1 =	vor.u32 @!p0 v1, v2  }
0x88: {  	[tilespmem:$0x40] =	vst @!p0 v1;
	v1 =	vld @!p0 [tilespmem:$0x50]  }
0x89: {  	v2 =	vld @!p0 [tilespmem:s17+$0x150];
	_ =	sdelay $0x4  }
0x8a: {  	v1 =	vor.u32 @!p0 v1, v2  }
0x8b: {  	[tilespmem:$0x50] =	vst @!p0 v1;
	v1 =	vld @!p0 [tilespmem:$0x60]  }
0x8c: {  	v2 =	vld @!p0 [tilespmem:s17+$0x160];
	_ =	sdelay $0x4  }
0x8d: {  	v1 =	vor.u32 @!p0 v1, v2  }
0x8e: {  	[tilespmem:$0x60] =	vst @!p0 v1;
	v1 =	vld @!p0 [tilespmem:$0x70]  }
0x8f: {  	v2 =	vld @!p0 [tilespmem:s17+$0x170];
	_ =	sdelay $0x4  }
0x90: {  	v1 =	vor.u32 @!p0 v1, v2  }
0x91: {  	[tilespmem:$0x70] =	vst @!p0 v1;
	v1 =	vld @!p0 [tilespmem:$0x80]  }
0x92: {  	v2 =	vld @!p0 [tilespmem:s17+$0x500];
	_ =	sdelay $0x4  }
0x93: {  	v1 =	vor.u32 @!p0 v1, v2  }
0x94: {  	[tilespmem:$0x80] =	vst @!p0 v1;
	v1 =	vld @!p0 [tilespmem:$0x90]  }
0x95: {  	v2 =	vld @!p0 [tilespmem:s17+$0x510];
	_ =	sdelay $0x4  }
0x96: {  	v1 =	vor.u32 @!p0 v1, v2  }
0x97: {  	s16 =	sadd.s32 $0x2, s16;
	s29 =	sadd.s32 $0x0, s13;
	[tilespmem:$0x90] =	vst @!p0 v1  }
0x98: {  	p0 =	seq.s32 s16, $0x28;
	s16 =	sshll.u32 s16, $0xC;
	_ =	swait.ge [sflag:s9], $0x8000  }
0x99: {  	s17 =	sshrl.u32 s29, $0x5;
	s16 =	simm.s32 @p0 $0x0;
	[sflag:s9] =	ssyncset.done $0x0  }
0x9a: {  	s28 =	sadd.s32 s2, s16;
	s16 =	simm.s32 $0x0;
	[sflag:s9] =	ssyncadd.s32 $0xFFFF8000  }
0x9b: {  	[tilespmem:s6], [sflag:$0x1] =	stream.linear.gather [hbm4b:s28+s16], $0x8000, $0x38;
	[tilespmem:$0x10100] =	vst v63  }
0x9c: {  	v1 =	vld [tilespmem:s17+$0x0];
	_ =	sdelay $0x4  }
0x9d: {  	(v2sf) =	vpush v1, $0x0;
	_ =	sdelay $0xe  }
0x9e: {  	s30 =	sand.u32 $0x1F, s16;
	s31 =	spop (v2sf)  }
0x9f: {  	s17 =	sshrl.u32 s31, s30  }
0xa0: {  	s17 =	sand.u32 $0x1, s17  }
0xa1: {  	p0 =	seq.s32 s17, $0x1  }
0xa2: {  	s17 =	sand.u32 @!p0 $0x7800, s16;
	s18 =	sand.u32 @!p0 $0x380, s16  }
0xa3: {  	v1 =	vld @!p0 [tilespmem:$0x0];
	s17 =	sor.u32 @!p0 s18, s17  }
0xa4: {  	v2 =	vld @!p0 [tilespmem:s17+$0x8100];
	_ =	sdelay $0x4  }
0xa5: {  	v1 =	vor.u32 @!p0 v1, v2  }
0xa6: {  	[tilespmem:$0x0] =	vst @!p0 v1;
	v1 =	vld @!p0 [tilespmem:$0x10]  }
0xa7: {  	v2 =	vld @!p0 [tilespmem:s17+$0x8110];
	_ =	sdelay $0x4  }
0xa8: {  	v1 =	vor.u32 @!p0 v1, v2  }
0xa9: {  	[tilespmem:$0x10] =	vst @!p0 v1;
	v1 =	vld @!p0 [tilespmem:$0x20]  }
0xaa: {  	v2 =	vld @!p0 [tilespmem:s17+$0x8120];
	_ =	sdelay $0x4  }
0xab: {  	v1 =	vor.u32 @!p0 v1, v2  }
0xac: {  	[tilespmem:$0x20] =	vst @!p0 v1;
	v1 =	vld @!p0 [tilespmem:$0x30]  }
0xad: {  	v2 =	vld @!p0 [tilespmem:s17+$0x8130];
	_ =	sdelay $0x4  }
0xae: {  	v1 =	vor.u32 @!p0 v1, v2  }
0xaf: {  	[tilespmem:$0x30] =	vst @!p0 v1;
	v1 =	vld @!p0 [tilespmem:$0x40]  }
0xb0: {  	v2 =	vld @!p0 [tilespmem:s17+$0x8140];
	_ =	sdelay $0x4  }
0xb1: {  	v1 =	vor.u32 @!p0 v1, v2  }
0xb2: {  	[tilespmem:$0x40] =	vst @!p0 v1;
	v1 =	vld @!p0 [tilespmem:$0x50]  }
0xb3: {  	v2 =	vld @!p0 [tilespmem:s17+$0x8150];
	_ =	sdelay $0x4  }
0xb4: {  	v1 =	vor.u32 @!p0 v1, v2  }
0xb5: {  	[tilespmem:$0x50] =	vst @!p0 v1;
	v1 =	vld @!p0 [tilespmem:$0x60]  }
0xb6: {  	v2 =	vld @!p0 [tilespmem:s17+$0x8160];
	_ =	sdelay $0x4  }
0xb7: {  	v1 =	vor.u32 @!p0 v1, v2  }
0xb8: {  	[tilespmem:$0x60] =	vst @!p0 v1;
	v1 =	vld @!p0 [tilespmem:$0x70]  }
0xb9: {  	v2 =	vld @!p0 [tilespmem:s17+$0x8170];
	_ =	sdelay $0x4  }
0xba: {  	v1 =	vor.u32 @!p0 v1, v2  }
0xbb: {  	[tilespmem:$0x70] =	vst @!p0 v1;
	v1 =	vld @!p0 [tilespmem:$0x80]  }
0xbc: {  	v2 =	vld @!p0 [tilespmem:s17+$0x8500];
	_ =	sdelay $0x4  }
0xbd: {  	v1 =	vor.u32 @!p0 v1, v2  }
0xbe: {  	[tilespmem:$0x80] =	vst @!p0 v1;
	v1 =	vld @!p0 [tilespmem:$0x90]  }
0xbf: {  	v2 =	vld @!p0 [tilespmem:s17+$0x8510];
	_ =	sdelay $0x3  }
0xc0: {  	s20 =	sadd.s32 $0x1, s13  }
0xc1: {  	s19 =	simm.s32 $0x2;
	s18 =	simm.s32 $0x1;
	s17 =	simm.s32 $0x100;
	v1 =	vor.u32 @!p0 v1, v2  }
.LBB2_6:
0xc2: {  	s20 =	sshrl.u32 s20, $0x5  }
0xc3: {  	[tilespmem:$0x90] =	vst @!p0 v1;
	s16 =	sadd.s32 $0x80, s16;
	s21 =	smov.u32 s19;
	s19 =	sadd.s32 $0x1, s19  }
0xc4: {  	p1 =	sne.s32 s19, $0x80;
	v1 =	vld [tilespmem:s20+$0x0];
	_ =	sdelay $0x4  }
0xc5: {  	(v2sf) =	vpush v1, $0x0;
	_ =	sdelay $0xe  }
0xc6: {  	s20 =	sand.u32 $0x1F, s18;
	s18 =	smov.u32 s21;
	s22 =	spop (v2sf)  }
0xc7: {  	s20 =	sshrl.u32 s22, s20  }
0xc8: {  	s20 =	sand.u32 $0x1, s20  }
0xc9: {  	p0 =	seq.s32 s20, $0x1  }
0xca: {  	s20 =	sand.u32 @!p0 $0x7800, s17;
	s21 =	sand.u32 @!p0 $0x380, s16  }
0xcb: {  	v1 =	vld @!p0 [tilespmem:$0x0];
	s20 =	sor.u32 @!p0 s21, s20  }
0xcc: {  	v2 =	vld @!p0 [tilespmem:s20+$0x8100];
	_ =	sdelay $0x4  }
0xcd: {  	v1 =	vor.u32 @!p0 v1, v2  }
0xce: {  	[tilespmem:$0x0] =	vst @!p0 v1;
	v1 =	vld @!p0 [tilespmem:$0x10]  }
0xcf: {  	v2 =	vld @!p0 [tilespmem:s20+$0x8110];
	_ =	sdelay $0x4  }
0xd0: {  	v1 =	vor.u32 @!p0 v1, v2  }
0xd1: {  	[tilespmem:$0x10] =	vst @!p0 v1;
	v1 =	vld @!p0 [tilespmem:$0x20]  }
0xd2: {  	v2 =	vld @!p0 [tilespmem:s20+$0x8120];
	_ =	sdelay $0x4  }
0xd3: {  	v1 =	vor.u32 @!p0 v1, v2  }
0xd4: {  	[tilespmem:$0x20] =	vst @!p0 v1;
	v1 =	vld @!p0 [tilespmem:$0x30]  }
0xd5: {  	v2 =	vld @!p0 [tilespmem:s20+$0x8130];
	_ =	sdelay $0x4  }
0xd6: {  	v1 =	vor.u32 @!p0 v1, v2  }
0xd7: {  	[tilespmem:$0x30] =	vst @!p0 v1;
	v1 =	vld @!p0 [tilespmem:$0x40]  }
0xd8: {  	v2 =	vld @!p0 [tilespmem:s20+$0x8140];
	_ =	sdelay $0x4  }
0xd9: {  	v1 =	vor.u32 @!p0 v1, v2  }
0xda: {  	[tilespmem:$0x40] =	vst @!p0 v1;
	v1 =	vld @!p0 [tilespmem:$0x50]  }
0xdb: {  	v2 =	vld @!p0 [tilespmem:s20+$0x8150];
	_ =	sdelay $0x4  }
0xdc: {  	v1 =	vor.u32 @!p0 v1, v2  }
0xdd: {  	[tilespmem:$0x50] =	vst @!p0 v1;
	v1 =	vld @!p0 [tilespmem:$0x60]  }
0xde: {  	v2 =	vld @!p0 [tilespmem:s20+$0x8160];
	_ =	sdelay $0x4  }
0xdf: {  	v1 =	vor.u32 @!p0 v1, v2  }
0xe0: {  	[tilespmem:$0x60] =	vst @!p0 v1;
	v1 =	vld @!p0 [tilespmem:$0x70]  }
0xe1: {  	v2 =	vld @!p0 [tilespmem:s20+$0x8170];
	_ =	sdelay $0x4  }
0xe2: {  	v1 =	vor.u32 @!p0 v1, v2  }
0xe3: {  	[tilespmem:$0x70] =	vst @!p0 v1;
	v1 =	vld @!p0 [tilespmem:$0x80]  }
0xe4: {  	v2 =	vld @!p0 [tilespmem:s20+$0x8500];
	_ =	sdelay $0x4  }
0xe5: {  	v1 =	vor.u32 @!p0 v1, v2  }
0xe6: {  	[tilespmem:$0x80] =	vst @!p0 v1;
	v1 =	vld @!p0 [tilespmem:$0x90]  }
0xe7: {  	v2 =	vld @!p0 [tilespmem:s20+$0x8510]  }
.Ltmp2:
0xe8: {  	(pc) =	sbr.rel @p1 .LBB2_6-.Ltmp2, $2  }
0xe9: {  	_ =	sdelay $0x2  }
0xea: {  	s17 =	sadd.s32 $0x100, s17;
	s20 =	sadd.s32 s18, s13;
	v1 =	vor.u32 @!p0 v1, v2  }
0xeb: {  	s19 =	sshrl.u32 s20, $0x5;
	[tilespmem:$0x90] =	vst @!p0 v1  }
0xec: {  	v1 =	vld [tilespmem:s19+$0x0];
	_ =	sdelay $0x4  }
0xed: {  	(v2sf) =	vpush v1, $0x0;
	_ =	sdelay $0xe  }
0xee: {  	s18 =	sand.u32 $0x1F, s18;
	s31 =	spop (v2sf)  }
0xef: {  	s18 =	sshrl.u32 s31, s18  }
0xf0: {  	s18 =	sand.u32 $0x1, s18  }
0xf1: {  	s16 =	sadd.s32 $0x80, s16;
	p0 =	seq.s32 s18, $0x1  }
0xf2: {  	s17 =	sand.u32 @!p0 $0x7800, s17;
	s16 =	sand.u32 @!p0 $0x380, s16  }
0xf3: {  	v1 =	vld @!p0 [tilespmem:$0x0];
	s16 =	sor.u32 @!p0 s16, s17  }
0xf4: {  	v2 =	vld @!p0 [tilespmem:s16+$0x8100];
	_ =	sdelay $0x4  }
0xf5: {  	v1 =	vor.u32 @!p0 v1, v2  }
0xf6: {  	[tilespmem:$0x0] =	vst @!p0 v1;
	v1 =	vld @!p0 [tilespmem:$0x10]  }
0xf7: {  	v2 =	vld @!p0 [tilespmem:s16+$0x8110];
	_ =	sdelay $0x4  }
0xf8: {  	v1 =	vor.u32 @!p0 v1, v2  }
0xf9: {  	[tilespmem:$0x10] =	vst @!p0 v1;
	v1 =	vld @!p0 [tilespmem:$0x20]  }
0xfa: {  	v2 =	vld @!p0 [tilespmem:s16+$0x8120];
	_ =	sdelay $0x4  }
0xfb: {  	v1 =	vor.u32 @!p0 v1, v2  }
0xfc: {  	[tilespmem:$0x20] =	vst @!p0 v1;
	v1 =	vld @!p0 [tilespmem:$0x30]  }
0xfd: {  	v2 =	vld @!p0 [tilespmem:s16+$0x8130];
	_ =	sdelay $0x4  }
0xfe: {  	v1 =	vor.u32 @!p0 v1, v2  }
0xff: {  	[tilespmem:$0x30] =	vst @!p0 v1;
	v1 =	vld @!p0 [tilespmem:$0x40]  }
0x100: {  	v2 =	vld @!p0 [tilespmem:s16+$0x8140];
	_ =	sdelay $0x4  }
0x101: {  	v1 =	vor.u32 @!p0 v1, v2  }
0x102: {  	[tilespmem:$0x40] =	vst @!p0 v1;
	v1 =	vld @!p0 [tilespmem:$0x50]  }
0x103: {  	v2 =	vld @!p0 [tilespmem:s16+$0x8150];
	_ =	sdelay $0x4  }
0x104: {  	v1 =	vor.u32 @!p0 v1, v2  }
0x105: {  	[tilespmem:$0x50] =	vst @!p0 v1;
	v1 =	vld @!p0 [tilespmem:$0x60]  }
0x106: {  	v2 =	vld @!p0 [tilespmem:s16+$0x8160];
	_ =	sdelay $0x4  }
0x107: {  	v1 =	vor.u32 @!p0 v1, v2  }
0x108: {  	[tilespmem:$0x60] =	vst @!p0 v1;
	v1 =	vld @!p0 [tilespmem:$0x70]  }
0x109: {  	v2 =	vld @!p0 [tilespmem:s16+$0x8170];
	_ =	sdelay $0x4  }
0x10a: {  	v1 =	vor.u32 @!p0 v1, v2  }
0x10b: {  	[tilespmem:$0x70] =	vst @!p0 v1;
	v1 =	vld @!p0 [tilespmem:$0x80]  }
0x10c: {  	v2 =	vld @!p0 [tilespmem:s16+$0x8500];
	_ =	sdelay $0x4  }
0x10d: {  	v1 =	vor.u32 @!p0 v1, v2  }
0x10e: {  	[tilespmem:$0x80] =	vst @!p0 v1;
	v1 =	vld @!p0 [tilespmem:$0x90]  }
0x10f: {  	v2 =	vld @!p0 [tilespmem:s16+$0x8510];
	_ =	sdelay $0x4  }
0x110: {  	s15 =	sadd.s32 $0x1, s15;
	v1 =	vor.u32 @!p0 v1, v2  }
0x111: {  	[tilespmem:$0x90] =	vst @!p0 v1;
	p0 =	sne.s32 s15, $0x14  }
.Ltmp3:
0x112: {  	_ = 	snop;
	(pc) =	sbr.rel @p0 .LBB2_3-.Ltmp3, $4  }
0x113: {  	_ = 	snop  }
0x114: {  	_ =	swait.ge [sflag:s10], $0x8000  }
0x115: {  	[sflag:s10] =	ssyncset.done $0x0  }
0x116: {  	s14 =	sadd.s32 $0x100, s14;
	s13 =	sadd.s32 $0x100, s13;
	[sflag:s10] =	ssyncadd.s32 $0xFFFF8000  }
0x117: {  	s11 =	sadd.s32 $0x1, s11  }
0x118: {  	p0 =	sne.s32 s11, s5  }
.Ltmp4:
0x119: {  	_ = 	snop;
	(pc) =	sbr.rel @p0 .LBB2_2-.Ltmp4, $4  }
0x11a: {  	[hbm4b:s3+s4] =	stream.linear.scatter [tilespmem:s4], [sflag:$0x3], $0xA0, $0x38;
	[tilespmem:$0x10100] =	vst v63  }
0x11b: {  	_ =	swait.ge [sflag:s7], $0xA0  }
0x11c: {  	[sflag:s7] =	ssyncset.done $0x0  }
0x11d: {  	[sflag:s7] =	ssyncadd.s32 $0xFFFFFF60  }
.LBB2_9:
0x11e: {  	_ =	sfence.sel $0x180000  }
0x11f: {  	[bflag:$0x0] =	sbarrier.arrive $0xFFFF  }
0x120: {  	p0 =	sne.s32 s1, $0x0;
	_ =	strace $0x90000047  }
0x121: {  	s0 =	sadd.s32 @!p0 $0x100000, s0;
	[bflag:$0x2] =	sbarrier.arrive $0xFFFF  }
0x122: {  	[sflag:s0] =	ssyncadd.tile.s32 @!p0 $0x1;
	_ =	shalt  }
.Lfunc_end2:
_tile_overlayer_lowered:
.L_overlay_start_2:
0x123: {  	(tag) =	ssettag $0x2  }
0x124: {  	s0 =	rddreg [dreg:$0x0];
	s2 =	stileid.u32  }
0x125: {  	s1 =	rddreg [dreg:$0x1];
	p0 =	sne.s32 s2, $0x0  }
0x126: {  	s3 =	rddreg [dreg:$0x2];
	[bflag:$0x3] =	sbarrier.arrive $0xFFFF;
	s2 =	simm.s32 @!p0 $0x1C03  }
0x127: {  	[timem:s3], [sflag:s2] =	dma.local @!p0 [hbm:s0], s1  }
0x128: {  	s0 =	simm.s32 @!p0 $0x3  }
0x129: {  	_ =	swait.ge @!p0 [sflag:s0], s1  }
0x12a: {  	s1 =	ssub.s32 @!p0 $0x0, s1;
	[sflag:s0] =	ssyncset.done @!p0 $0x0  }
0x12b: {  	[sflag:s0] =	ssyncadd.s32 @!p0 s1  }
0x12c: {  	[bflag:$0x3] =	sbarrier.arrive $0xFFFF  }
0x12d: {  	_ =	shalt  }

</sc_bundles>
